<compile_context>
chip_gen: v7x
topology: tpu7x:2x2x1
jax: 0.10.2.dev20260603
libtpu: 0.0.44.dev20260713+nightly
codegen_flags: <defaults>
</compile_context>

<pallas_src>
import functools

import jax
import jax.numpy as jnp
from jax import lax
from jax.experimental import pallas as pl
from jax.experimental.pallas import tpu as pltpu
from jax.experimental.pallas import tpu_sc as plsc

N = 10000
E = 320000
G = 64
IN_CH = 128
HID = 64

NC = 2
NS = 16
NW = NC * NS
CH = 128

NP = 10240
RPT = NP // NS
NCHK = 80
EP = NW * NCHK * CH
EPW = EP // NW

_mesh = plsc.VectorSubcoreMesh(
    core_axis_name="c", subcore_axis_name="s", num_cores=NC, num_subcores=NS)
_sc_params = pltpu.CompilerParams(use_tc_tiling_on_sc=False)



@functools.partial(
    pl.kernel,
    out_type=jax.ShapeDtypeStruct((NC, NP), jnp.float32),
    mesh=_mesh,
    compiler_params=_sc_params,
    scratch_types=[
        pltpu.VMEM_SHARED((NP,), jnp.float32),
        pltpu.VMEM((CH,), jnp.int32),
        pltpu.VMEM((CH,), jnp.float32),
    ],
)
def _deg(dst_hbm, ones_hbm, zn_hbm, out_hbm, acc, idx, ones_v):
    cid = lax.axis_index("c")
    sid = lax.axis_index("s")
    wid = sid * NC + cid
    pltpu.sync_copy(zn_hbm.at[pl.ds(sid * RPT, RPT)],
                    acc.at[pl.ds(sid * RPT, RPT)])
    pltpu.sync_copy(ones_hbm, ones_v)
    plsc.subcore_barrier()
    base = wid * EPW

    def body(c, carry):
        pltpu.sync_copy(dst_hbm.at[pl.ds(base + c * CH, CH)], idx)
        pltpu.sync_copy(ones_v, acc.at[idx], add=True)
        return carry

    lax.fori_loop(0, NCHK, body, 0)
    plsc.subcore_barrier()
    pltpu.sync_copy(acc.at[pl.ds(sid * RPT, RPT)],
                    out_hbm.at[cid].at[pl.ds(sid * RPT, RPT)])


@functools.partial(
    pl.kernel,
    out_type=jax.ShapeDtypeStruct((NC, NP, HID), jnp.bfloat16),
    mesh=_mesh,
    compiler_params=_sc_params,
    scratch_types=[
        pltpu.VMEM_SHARED((NP, HID), jnp.bfloat16),
        pltpu.VMEM((NCHK, CH), jnp.int32),
        pltpu.VMEM((NCHK, CH), jnp.int32),
        pltpu.VMEM((2, CH, HID), jnp.bfloat16),
        pltpu.SemaphoreType.DMA((2,)),
        pltpu.SemaphoreType.DMA((2,)),
    ],
)
def _agg(hs_hbm, src_hbm, dst_hbm, zr_hbm, out_hbm,
         acc, isrc, idst, rows, gsem, ssem):
    cid = lax.axis_index("c")
    sid = lax.axis_index("s")
    wid = sid * NC + cid
    pltpu.sync_copy(zr_hbm.at[pl.ds(sid * RPT, RPT)],
                    acc.at[pl.ds(sid * RPT, RPT)])
    pltpu.sync_copy(src_hbm.at[wid], isrc)
    pltpu.sync_copy(dst_hbm.at[wid], idst)
    plsc.subcore_barrier()

    def g_cp(bank, c):
        return pltpu.make_async_copy(hs_hbm.at[isrc.at[c]],
                                     rows.at[bank], gsem.at[bank])

    def s_cp(bank, c):
        return pltpu.make_async_copy(rows.at[bank],
                                     acc.at[idst.at[c]], ssem.at[bank])

    def g_issue(bank, c):
        pltpu.async_copy(hs_hbm.at[isrc.at[c]], rows.at[bank],
                         gsem.at[bank])

    def s_issue(bank, c):
        pltpu.async_copy(rows.at[bank], acc.at[idst.at[c]],
                         ssem.at[bank], add=True)

    g_issue(0, 0)

    def body(k, carry):
        ce = 2 * k
        co = 2 * k + 1
        g_cp(0, ce).wait()
        s_issue(0, ce)
        pl.when(k > 0)(lambda: s_cp(1, co - 2).wait())
        g_issue(1, co)
        g_cp(1, co).wait()
        s_issue(1, co)
        s_cp(0, ce).wait()
        pl.when(k < NCHK // 2 - 1)(lambda: g_issue(0, ce + 2))
        return carry

    lax.fori_loop(0, NCHK // 2, body, 0)
    s_cp(1, NCHK - 1).wait()
    plsc.subcore_barrier()
    pltpu.sync_copy(acc.at[pl.ds(sid * RPT, RPT)],
                    out_hbm.at[cid].at[pl.ds(sid * RPT, RPT)])



def _dinv_of(pT_ref):
    return lax.rsqrt(1.0 + pT_ref[:, 0:1] + pT_ref[:, 1:2])


def _tc_first_body(pT_ref, xp_ref, w1_ref, out_ref):
    h = jnp.dot(xp_ref[...], w1_ref[...], preferred_element_type=jnp.float32)
    out_ref[...] = (_dinv_of(pT_ref) * h).astype(jnp.bfloat16)


def _tc_mid_body(pT_ref, q_ref, hs_ref, b_ref, w_ref, out_ref):
    dinv = _dinv_of(pT_ref)
    agg = (q_ref[0].astype(jnp.float32) + q_ref[1].astype(jnp.float32)
           + hs_ref[...].astype(jnp.float32))
    h = jnp.maximum(dinv * agg + b_ref[...], 0.0)
    out_ref[...] = (dinv * jnp.dot(h, w_ref[...],
                                   preferred_element_type=jnp.float32)
                    ).astype(jnp.bfloat16)


def _tc_final_body(pT_ref, q_ref, hs_ref, b3_ref, bp_ref,
                   wl1_ref, bl1_ref, wl2_ref, bl2_ref, out_ref):
    dinv = _dinv_of(pT_ref)
    agg = (q_ref[0].astype(jnp.float32) + q_ref[1].astype(jnp.float32)
           + hs_ref[...].astype(jnp.float32))
    h3 = jnp.maximum(dinv * agg + b3_ref[...], 0.0)
    gids = lax.broadcasted_iota(jnp.int32, (G, NP), 0)
    m = (bp_ref[...] == gids).astype(jnp.float32)
    counts = jnp.sum(m, axis=1, keepdims=True)
    sums = jnp.dot(m, h3, preferred_element_type=jnp.float32)
    g = sums / jnp.maximum(counts, 1.0)
    r = jnp.maximum(
        jnp.dot(g, wl1_ref[...], preferred_element_type=jnp.float32)
        + bl1_ref[...], 0.0)
    o = jnp.dot(r, wl2_ref[...], preferred_element_type=jnp.float32) \
        + bl2_ref[...]
    out_ref[...] = jax.nn.sigmoid(o)


_tc_first = pl.pallas_call(
    _tc_first_body, out_shape=jax.ShapeDtypeStruct((NP, HID), jnp.bfloat16))
_tc_mid = pl.pallas_call(
    _tc_mid_body, out_shape=jax.ShapeDtypeStruct((NP, HID), jnp.bfloat16))
_tc_final = pl.pallas_call(
    _tc_final_body, out_shape=jax.ShapeDtypeStruct((G, 1), jnp.float32))



def kernel(x, edge_index, batch, W1, b1, W2, b2, W3, b3, Wl1, bl1, Wl2, bl2):
    f32 = jnp.float32
    src = edge_index[0].astype(jnp.int32)
    dst = edge_index[1].astype(jnp.int32)
    pad = jnp.full((EP - E,), N, jnp.int32)
    srcp = jnp.concatenate([src, pad])
    dstp = jnp.concatenate([dst, pad])
    src3 = srcp.reshape(NW, NCHK, CH)
    dst3 = dstp.reshape(NW, NCHK, CH)
    xp = jnp.zeros((NP, IN_CH), f32).at[:N].set(x.astype(f32))
    zr = jnp.zeros((NP, HID), jnp.bfloat16)
    zn = jnp.zeros((NP,), f32)
    ones = jnp.ones((CH,), f32)
    bp = jnp.concatenate(
        [batch.astype(jnp.int32), jnp.full((NP - N,), G, jnp.int32)]
    ).reshape(1, NP)

    p = _deg(dstp, ones, zn)
    pT = p.T
    hs1 = _tc_first(pT, xp, W1)
    q1 = _agg(hs1, src3, dst3, zr)
    hs2 = _tc_mid(pT, q1, hs1, b1.reshape(1, HID), W2)
    q2 = _agg(hs2, src3, dst3, zr)
    hs3 = _tc_mid(pT, q2, hs2, b2.reshape(1, HID), W3)
    q3 = _agg(hs3, src3, dst3, zr)
    return _tc_final(pT, q3, hs3, b3.reshape(1, HID), bp,
                     Wl1, bl1.reshape(1, HID // 2), Wl2, bl2.reshape(1, 1))

# --- scband reference (transcript-rebuilt; emitter-appended) ---
"""Pipeline reference for scband-violence-detection-gnn-31190052504456 (READ-ONLY COPY).

The authoritative reference and input builder live on the scoring server;
editing this copy changes nothing except your own understanding.
"""

import jax, jax.numpy as jnp
import numpy as np

N_NODES = 10000
N_EDGES = 320000
N_GRAPHS = 64
IN_CH = 128
HID = 64


def setup_inputs(seed: int = 0) -> dict:
    key = jax.random.key(seed)
    ks = jax.random.split(key, 16)
    x = jax.random.normal(ks[0], (N_NODES, IN_CH), dtype=jnp.float32)
    edge_index = jax.random.randint(ks[1], (2, N_EDGES), 0, N_NODES)
    batch = jnp.sort(jax.random.randint(ks[2], (N_NODES,), 0, N_GRAPHS))
    s = 0.05
    W1 = jax.random.normal(ks[3], (IN_CH, HID), dtype=jnp.float32) * s
    b1 = jnp.zeros((HID,), dtype=jnp.float32)
    W2 = jax.random.normal(ks[4], (HID, HID), dtype=jnp.float32) * s
    b2 = jnp.zeros((HID,), dtype=jnp.float32)
    W3 = jax.random.normal(ks[5], (HID, HID), dtype=jnp.float32) * s
    b3 = jnp.zeros((HID,), dtype=jnp.float32)
    Wl1 = jax.random.normal(ks[6], (HID, HID // 2), dtype=jnp.float32) * s
    bl1 = jnp.zeros((HID // 2,), dtype=jnp.float32)
    Wl2 = jax.random.normal(ks[7], (HID // 2, 1), dtype=jnp.float32) * s
    bl2 = jnp.zeros((1,), dtype=jnp.float32)
    return {"x": x, "edge_index": edge_index, "batch": batch,
            "W1": W1, "b1": b1, "W2": W2, "b2": b2, "W3": W3, "b3": b3,
            "Wl1": Wl1, "bl1": bl1, "Wl2": Wl2, "bl2": bl2}


def _gcn_norm(edge_index, num_nodes):
    # PyG GCNConv default: add self loops, symmetric normalization D^-1/2 (A+I) D^-1/2
    loop = jnp.arange(num_nodes)
    src = jnp.concatenate([edge_index[0], loop])
    dst = jnp.concatenate([edge_index[1], loop])
    ones = jnp.ones_like(dst, dtype=jnp.float32)
    deg = jax.ops.segment_sum(ones, dst, num_segments=num_nodes)
    deg_inv_sqrt = jnp.where(deg > 0, deg ** -0.5, 0.0)
    norm = deg_inv_sqrt[src] * deg_inv_sqrt[dst]
    return src, dst, norm


def _gcn_conv(x, src, dst, norm, W, b, num_nodes):
    h = x @ W
    msg = h[src] * norm[:, None]
    out = jax.ops.segment_sum(msg, dst, num_segments=num_nodes)
    return out + b


def _global_mean_pool(x, batch, num_graphs):
    sums = jax.ops.segment_sum(x, batch, num_segments=num_graphs)
    counts = jax.ops.segment_sum(jnp.ones((x.shape[0],), dtype=jnp.float32), batch, num_segments=num_graphs)
    return sums / jnp.maximum(counts, 1.0)[:, None]


def reference(x, edge_index, batch, W1, b1, W2, b2, W3, b3, Wl1, bl1, Wl2, bl2):
    num_nodes = x.shape[0]
    src, dst, norm = _gcn_norm(edge_index, num_nodes)
    h = _gcn_conv(x, src, dst, norm, W1, b1, num_nodes)
    h = jax.nn.relu(h)
    # dropout p=0.3 is identity in eval mode
    h = _gcn_conv(h, src, dst, norm, W2, b2, num_nodes)
    h = jax.nn.relu(h)
    h = _gcn_conv(h, src, dst, norm, W3, b3, num_nodes)
    h = jax.nn.relu(h)
    g = _global_mean_pool(h, batch, N_GRAPHS)
    g = jax.nn.relu(g @ Wl1 + bl1)
    g = g @ Wl2 + bl2
    return jax.nn.sigmoid(g)

if __name__ == "__main__":
    import jax
    _d = setup_inputs()
    print(jax.jit(kernel)(*tuple(_d.values())))

</pallas_src>

<mosaic_0001>
#map = affine_map<(d0, d1) -> (0, 0)>
#map1 = affine_map<(d0, d1) -> (0, 0, 0)>
module attributes {stable_mosaic.version = 14 : i64} {
  func.func @_agg(%arg0: i32, %arg1: i32, %arg2: memref<10240x64xbf16, #tpu.memory_space<hbm>>, %arg3: memref<32x80x128xi32, #tpu.memory_space<hbm>>, %arg4: memref<32x80x128xi32, #tpu.memory_space<hbm>>, %arg5: memref<10240x64xbf16, #tpu.memory_space<hbm>>, %arg6: memref<2x10240x64xbf16, #tpu.memory_space<hbm>>, %arg7: memref<10240x64xbf16, #tpu.memory_space<vmem_shared>>, %arg8: memref<80x128xi32, #tpu.memory_space<vmem>>, %arg9: memref<80x128xi32, #tpu.memory_space<vmem>>, %arg10: memref<2x128x64xbf16, #tpu.memory_space<vmem>>, %arg11: memref<2x!tpu.dma_semaphore, #tpu.memory_space<semaphore_mem>>, %arg12: memref<2x!tpu.dma_semaphore, #tpu.memory_space<semaphore_mem>>) attributes {dimension_semantics = [#tpu.dimension_semantics<core_parallel>, #tpu.dimension_semantics<subcore_parallel>], iteration_bounds = array<i64: 2, 16>, scalar_prefetch = 0 : i64, scratch_operands = 6 : i64, tpu.core_type = #tpu.core_type<sc_vector_subcore>, window_params = [{transform_indices = #map}, {transform_indices = #map1}, {transform_indices = #map1}, {transform_indices = #map}, {transform_indices = #map1}]} {
    %mul3A = arith.constant 2 : i32
    %mul3A_0 = arith.muli %arg1, %mul3A : i32
    %add3A = arith.addi %mul3A_0, %arg0 : i32
    %mul3A_1 = arith.constant 640 : i32
    %mul3A_2 = arith.muli %arg1, %mul3A_1 : i32
    %mul3A_3 = arith.constant 640 : i32
    %mul3A_4 = arith.muli %arg1, %mul3A_3 : i32
    "tpu.region"() ({
      %run_scoped3A = tpu.sem_alloc : memref<!tpu.dma_semaphore, #tpu.memory_space<semaphore_mem>>
      %dma_start3A_43 = arith.constant 0 : i32
      %dma_start3A_44 = tpu.memref_slice %arg7[%mul3A_4, %dma_start3A_43] : memref<10240x64xbf16, #tpu.memory_space<vmem_shared>> -> memref<640x64xbf16, #tpu.memory_space<vmem_shared>>
      %dma_start3A_45 = arith.constant 0 : i32
      %dma_start3A_46 = tpu.memref_slice %arg5[%mul3A_2, %dma_start3A_45] : memref<10240x64xbf16, #tpu.memory_space<hbm>> -> memref<640x64xbf16, #tpu.memory_space<hbm>>
      tpu.enqueue_dma source(%dma_start3A_46 : memref<640x64xbf16, #tpu.memory_space<hbm>>) target(%dma_start3A_44 : memref<640x64xbf16, #tpu.memory_space<vmem_shared>>) target_semaphore(%run_scoped3A : memref<!tpu.dma_semaphore, #tpu.memory_space<semaphore_mem>>)
      %dma_wait3A_47 = arith.constant 0 : i32
      %dma_wait3A_48 = tpu.memref_slice %arg7[%mul3A_4, %dma_wait3A_47] : memref<10240x64xbf16, #tpu.memory_space<vmem_shared>> -> memref<640x64xbf16, #tpu.memory_space<vmem_shared>>
      %dma_wait3A_49 = arith.constant 0 : i32
      %dma_wait3A_50 = tpu.memref_slice %arg5[%mul3A_2, %dma_wait3A_49] : memref<10240x64xbf16, #tpu.memory_space<hbm>> -> memref<640x64xbf16, #tpu.memory_space<hbm>>
      tpu.wait_dma2 semaphore(%run_scoped3A : memref<!tpu.dma_semaphore, #tpu.memory_space<semaphore_mem>>) src(%dma_wait3A_50 : memref<640x64xbf16, #tpu.memory_space<hbm>>) dst(%dma_wait3A_48 : memref<640x64xbf16, #tpu.memory_space<vmem_shared>>)
      tpu.yield
    }) : () -> ()
    "tpu.region"() ({
      %run_scoped3A = tpu.sem_alloc : memref<!tpu.dma_semaphore, #tpu.memory_space<semaphore_mem>>
      %dma_start3A_43 = arith.constant 0 : i32
      %dma_start3A_44 = arith.constant 0 : i32
      %dma_start3A_45 = tpu.memref_slice %arg3[%add3A, %dma_start3A_43, %dma_start3A_44] : memref<32x80x128xi32, #tpu.memory_space<hbm>> -> memref<1x80x128xi32, #tpu.memory_space<hbm>>
      %dma_start3A_46 = tpu.memref_squeeze %dma_start3A_45 : memref<1x80x128xi32, #tpu.memory_space<hbm>> -> memref<80x128xi32, #tpu.memory_space<hbm>>
      %dma_start3A_47 = arith.constant 0 : i32
      %dma_start3A_48 = arith.constant 0 : i32
      %dma_start3A_49 = tpu.memref_slice %arg3[%add3A, %dma_start3A_47, %dma_start3A_48] : memref<32x80x128xi32, #tpu.memory_space<hbm>> -> memref<1x80x128xi32, #tpu.memory_space<hbm>>
      %dma_start3A_50 = tpu.memref_squeeze %dma_start3A_49 : memref<1x80x128xi32, #tpu.memory_space<hbm>> -> memref<80x128xi32, #tpu.memory_space<hbm>>
      tpu.enqueue_dma source(%dma_start3A_50 : memref<80x128xi32, #tpu.memory_space<hbm>>) target(%arg8 : memref<80x128xi32, #tpu.memory_space<vmem>>) target_semaphore(%run_scoped3A : memref<!tpu.dma_semaphore, #tpu.memory_space<semaphore_mem>>)
      %dma_wait3A_51 = arith.constant 0 : i32
      %dma_wait3A_52 = arith.constant 0 : i32
      %dma_wait3A_53 = tpu.memref_slice %arg3[%add3A, %dma_wait3A_51, %dma_wait3A_52] : memref<32x80x128xi32, #tpu.memory_space<hbm>> -> memref<1x80x128xi32, #tpu.memory_space<hbm>>
      %dma_wait3A_54 = tpu.memref_squeeze %dma_wait3A_53 : memref<1x80x128xi32, #tpu.memory_space<hbm>> -> memref<80x128xi32, #tpu.memory_space<hbm>>
      %dma_wait3A_55 = arith.constant 0 : i32
      %dma_wait3A_56 = arith.constant 0 : i32
      %dma_wait3A_57 = tpu.memref_slice %arg3[%add3A, %dma_wait3A_55, %dma_wait3A_56] : memref<32x80x128xi32, #tpu.memory_space<hbm>> -> memref<1x80x128xi32, #tpu.memory_space<hbm>>
      %dma_wait3A_58 = tpu.memref_squeeze %dma_wait3A_57 : memref<1x80x128xi32, #tpu.memory_space<hbm>> -> memref<80x128xi32, #tpu.memory_space<hbm>>
      tpu.wait_dma2 semaphore(%run_scoped3A : memref<!tpu.dma_semaphore, #tpu.memory_space<semaphore_mem>>) src(%dma_wait3A_58 : memref<80x128xi32, #tpu.memory_space<hbm>>) dst(%arg8 : memref<80x128xi32, #tpu.memory_space<vmem>>)
      tpu.yield
    }) : () -> ()
    "tpu.region"() ({
      %run_scoped3A = tpu.sem_alloc : memref<!tpu.dma_semaphore, #tpu.memory_space<semaphore_mem>>
      %dma_start3A_43 = arith.constant 0 : i32
      %dma_start3A_44 = arith.constant 0 : i32
      %dma_start3A_45 = tpu.memref_slice %arg4[%add3A, %dma_start3A_43, %dma_start3A_44] : memref<32x80x128xi32, #tpu.memory_space<hbm>> -> memref<1x80x128xi32, #tpu.memory_space<hbm>>
      %dma_start3A_46 = tpu.memref_squeeze %dma_start3A_45 : memref<1x80x128xi32, #tpu.memory_space<hbm>> -> memref<80x128xi32, #tpu.memory_space<hbm>>
      %dma_start3A_47 = arith.constant 0 : i32
      %dma_start3A_48 = arith.constant 0 : i32
      %dma_start3A_49 = tpu.memref_slice %arg4[%add3A, %dma_start3A_47, %dma_start3A_48] : memref<32x80x128xi32, #tpu.memory_space<hbm>> -> memref<1x80x128xi32, #tpu.memory_space<hbm>>
      %dma_start3A_50 = tpu.memref_squeeze %dma_start3A_49 : memref<1x80x128xi32, #tpu.memory_space<hbm>> -> memref<80x128xi32, #tpu.memory_space<hbm>>
      tpu.enqueue_dma source(%dma_start3A_50 : memref<80x128xi32, #tpu.memory_space<hbm>>) target(%arg9 : memref<80x128xi32, #tpu.memory_space<vmem>>) target_semaphore(%run_scoped3A : memref<!tpu.dma_semaphore, #tpu.memory_space<semaphore_mem>>)
      %dma_wait3A_51 = arith.constant 0 : i32
      %dma_wait3A_52 = arith.constant 0 : i32
      %dma_wait3A_53 = tpu.memref_slice %arg4[%add3A, %dma_wait3A_51, %dma_wait3A_52] : memref<32x80x128xi32, #tpu.memory_space<hbm>> -> memref<1x80x128xi32, #tpu.memory_space<hbm>>
      %dma_wait3A_54 = tpu.memref_squeeze %dma_wait3A_53 : memref<1x80x128xi32, #tpu.memory_space<hbm>> -> memref<80x128xi32, #tpu.memory_space<hbm>>
      %dma_wait3A_55 = arith.constant 0 : i32
      %dma_wait3A_56 = arith.constant 0 : i32
      %dma_wait3A_57 = tpu.memref_slice %arg4[%add3A, %dma_wait3A_55, %dma_wait3A_56] : memref<32x80x128xi32, #tpu.memory_space<hbm>> -> memref<1x80x128xi32, #tpu.memory_space<hbm>>
      %dma_wait3A_58 = tpu.memref_squeeze %dma_wait3A_57 : memref<1x80x128xi32, #tpu.memory_space<hbm>> -> memref<80x128xi32, #tpu.memory_space<hbm>>
      tpu.wait_dma2 semaphore(%run_scoped3A : memref<!tpu.dma_semaphore, #tpu.memory_space<semaphore_mem>>) src(%dma_wait3A_58 : memref<80x128xi32, #tpu.memory_space<hbm>>) dst(%arg9 : memref<80x128xi32, #tpu.memory_space<vmem>>)
      tpu.yield
    }) : () -> ()
    %barrier3A = arith.constant 0 : index
    tpu.barrier barrier_id(%barrier3A)
    %dma_start3A = arith.constant 0 : i32
    %dma_start3A_5 = arith.constant 0 : i32
    %dma_start3A_6 = arith.constant 0 : i32
    %dma_start3A_7 = arith.constant 0 : i32
    %dma_start3A_8 = arith.constant 0 : i32
    %dma_start3A_9 = tpu.memref_slice %arg10[%dma_start3A_5, %dma_start3A_7, %dma_start3A_8] : memref<2x128x64xbf16, #tpu.memory_space<vmem>> -> memref<1x128x64xbf16, #tpu.memory_space<vmem>>
    %dma_start3A_10 = tpu.memref_squeeze %dma_start3A_9 : memref<1x128x64xbf16, #tpu.memory_space<vmem>> -> memref<128x64xbf16, #tpu.memory_space<vmem>>
    %dma_start3A_11 = arith.constant 0 : i32
    %dma_start3A_12 = tpu.memref_slice %arg8[%dma_start3A, %dma_start3A_11] : memref<80x128xi32, #tpu.memory_space<vmem>> -> memref<1x128xi32, #tpu.memory_space<vmem>>
    %dma_start3A_13 = tpu.memref_squeeze %dma_start3A_12 : memref<1x128xi32, #tpu.memory_space<vmem>> -> memref<128xi32, #tpu.memory_space<vmem>>
    %dma_start3A_14 = arith.constant 0 : i32
    %dma_start3A_15 = arith.constant 0 : i32
    %dma_start3A_16 = tpu.memref_slice %arg2[%dma_start3A_14, %dma_start3A_15] : memref<10240x64xbf16, #tpu.memory_space<hbm>> -> memref<10240x64xbf16, #tpu.memory_space<hbm>>
    %dma_start3A_17 = tpu.memref_slice %arg11[%dma_start3A_6] : memref<2x!tpu.dma_semaphore, #tpu.memory_space<semaphore_mem>> -> memref<1x!tpu.dma_semaphore, #tpu.memory_space<semaphore_mem>>
    %dma_start3A_18 = tpu.memref_squeeze %dma_start3A_17 : memref<1x!tpu.dma_semaphore, #tpu.memory_space<semaphore_mem>> -> memref<!tpu.dma_semaphore, #tpu.memory_space<semaphore_mem>>
    tpu.enqueue_indirect_dma source(%dma_start3A_16 : memref<10240x64xbf16, #tpu.memory_space<hbm>>) target(%dma_start3A_10 : memref<128x64xbf16, #tpu.memory_space<vmem>>) offsets(%dma_start3A_13 : memref<128xi32, #tpu.memory_space<vmem>>) semaphore(%dma_start3A_18 : memref<!tpu.dma_semaphore, #tpu.memory_space<semaphore_mem>>)
    %scan3A = arith.constant 0 : i32
    %scan3A_19 = arith.constant 0 : i32
    %scan3A_20 = arith.constant 40 : i32
    %scan3A_21 = arith.addi %scan3A_19, %scan3A_20 : i32
    %scan3A_22 = arith.constant 1 : i32
    scf.for %scan3A_43 = %scan3A_19 to %scan3A_21 step %scan3A_22  : i32 {
      %mul3A_44 = arith.constant 2 : i32
      %mul3A_45 = arith.muli %mul3A_44, %scan3A_43 : i32
      %mul3A_46 = arith.constant 2 : i32
      %mul3A_47 = arith.muli %mul3A_46, %scan3A_43 : i32
      %add3A_48 = arith.constant 1 : i32
      %add3A_49 = arith.addi %mul3A_47, %add3A_48 : i32
      %dma_wait3A_50 = arith.constant 0 : i32
      %dma_wait3A_51 = arith.constant 0 : i32
      %dma_wait3A_52 = arith.constant 0 : i32
      %dma_wait3A_53 = arith.constant 0 : i32
      %dma_wait3A_54 = tpu.memref_slice %arg10[%dma_wait3A_50, %dma_wait3A_52, %dma_wait3A_53] : memref<2x128x64xbf16, #tpu.memory_space<vmem>> -> memref<1x128x64xbf16, #tpu.memory_space<vmem>>
      %dma_wait3A_55 = tpu.memref_squeeze %dma_wait3A_54 : memref<1x128x64xbf16, #tpu.memory_space<vmem>> -> memref<128x64xbf16, #tpu.memory_space<vmem>>
      %dma_wait3A_56 = arith.constant 0 : i32
      %dma_wait3A_57 = tpu.memref_slice %arg8[%mul3A_45, %dma_wait3A_56] : memref<80x128xi32, #tpu.memory_space<vmem>> -> memref<1x128xi32, #tpu.memory_space<vmem>>
      %dma_wait3A_58 = tpu.memref_squeeze %dma_wait3A_57 : memref<1x128xi32, #tpu.memory_space<vmem>> -> memref<128xi32, #tpu.memory_space<vmem>>
      %dma_wait3A_59 = arith.constant 0 : i32
      %dma_wait3A_60 = arith.constant 0 : i32
      %dma_wait3A_61 = tpu.memref_slice %arg2[%dma_wait3A_59, %dma_wait3A_60] : memref<10240x64xbf16, #tpu.memory_space<hbm>> -> memref<10240x64xbf16, #tpu.memory_space<hbm>>
      %dma_wait3A_62 = tpu.memref_slice %arg11[%dma_wait3A_51] : memref<2x!tpu.dma_semaphore, #tpu.memory_space<semaphore_mem>> -> memref<1x!tpu.dma_semaphore, #tpu.memory_space<semaphore_mem>>
      %dma_wait3A_63 = tpu.memref_squeeze %dma_wait3A_62 : memref<1x!tpu.dma_semaphore, #tpu.memory_space<semaphore_mem>> -> memref<!tpu.dma_semaphore, #tpu.memory_space<semaphore_mem>>
      tpu.wait_indirect_dma semaphore(%dma_wait3A_63 : memref<!tpu.dma_semaphore, #tpu.memory_space<semaphore_mem>>) src(%dma_wait3A_61 : memref<10240x64xbf16, #tpu.memory_space<hbm>>) dst(%dma_wait3A_55 : memref<128x64xbf16, #tpu.memory_space<vmem>>)
      %dma_start3A_64 = arith.constant 0 : i32
      %dma_start3A_65 = arith.constant 0 : i32
      %dma_start3A_66 = arith.constant 0 : i32
      %dma_start3A_67 = arith.constant 0 : i32
      %dma_start3A_68 = tpu.memref_slice %arg10[%dma_start3A_64, %dma_start3A_66, %dma_start3A_67] : memref<2x128x64xbf16, #tpu.memory_space<vmem>> -> memref<1x128x64xbf16, #tpu.memory_space<vmem>>
      %dma_start3A_69 = tpu.memref_squeeze %dma_start3A_68 : memref<1x128x64xbf16, #tpu.memory_space<vmem>> -> memref<128x64xbf16, #tpu.memory_space<vmem>>
      %dma_start3A_70 = arith.constant 0 : i32
      %dma_start3A_71 = tpu.memref_slice %arg9[%mul3A_45, %dma_start3A_70] : memref<80x128xi32, #tpu.memory_space<vmem>> -> memref<1x128xi32, #tpu.memory_space<vmem>>
      %dma_start3A_72 = tpu.memref_squeeze %dma_start3A_71 : memref<1x128xi32, #tpu.memory_space<vmem>> -> memref<128xi32, #tpu.memory_space<vmem>>
      %dma_start3A_73 = arith.constant 0 : i32
      %dma_start3A_74 = arith.constant 0 : i32
      %dma_start3A_75 = tpu.memref_slice %arg7[%dma_start3A_73, %dma_start3A_74] : memref<10240x64xbf16, #tpu.memory_space<vmem_shared>> -> memref<10240x64xbf16, #tpu.memory_space<vmem_shared>>
      %dma_start3A_76 = tpu.memref_slice %arg12[%dma_start3A_65] : memref<2x!tpu.dma_semaphore, #tpu.memory_space<semaphore_mem>> -> memref<1x!tpu.dma_semaphore, #tpu.memory_space<semaphore_mem>>
      %dma_start3A_77 = tpu.memref_squeeze %dma_start3A_76 : memref<1x!tpu.dma_semaphore, #tpu.memory_space<semaphore_mem>> -> memref<!tpu.dma_semaphore, #tpu.memory_space<semaphore_mem>>
      tpu.enqueue_indirect_dma source(%dma_start3A_69 : memref<128x64xbf16, #tpu.memory_space<vmem>>) target(%dma_start3A_75 : memref<10240x64xbf16, #tpu.memory_space<vmem_shared>>) offsets(%dma_start3A_72 : memref<128xi32, #tpu.memory_space<vmem>>) semaphore(%dma_start3A_77 : memref<!tpu.dma_semaphore, #tpu.memory_space<semaphore_mem>>) {add = true}
      %gt3A = arith.constant 0 : i32
      %gt3A_78 = arith.cmpi sgt, %scan3A_43, %gt3A : i32
      %convert_element_type3A = arith.extui %gt3A_78 : i1 to i32
      %cond3A = arith.constant 0 : i32
      %cond3A_79 = arith.cmpi ne, %convert_element_type3A, %cond3A : i32
      scf.if %cond3A_79 {
        %sub3A = arith.constant 2 : i32
        %sub3A_140 = arith.subi %add3A_49, %sub3A : i32
        %dma_wait3A_141 = arith.constant 1 : i32
        %dma_wait3A_142 = arith.constant 1 : i32
        %dma_wait3A_143 = arith.constant 0 : i32
        %dma_wait3A_144 = arith.constant 0 : i32
        %dma_wait3A_145 = tpu.memref_slice %arg10[%dma_wait3A_141, %dma_wait3A_143, %dma_wait3A_144] : memref<2x128x64xbf16, #tpu.memory_space<vmem>> -> memref<1x128x64xbf16, #tpu.memory_space<vmem>>
        %dma_wait3A_146 = tpu.memref_squeeze %dma_wait3A_145 : memref<1x128x64xbf16, #tpu.memory_space<vmem>> -> memref<128x64xbf16, #tpu.memory_space<vmem>>
        %dma_wait3A_147 = arith.constant 0 : i32
        %dma_wait3A_148 = tpu.memref_slice %arg9[%sub3A_140, %dma_wait3A_147] : memref<80x128xi32, #tpu.memory_space<vmem>> -> memref<1x128xi32, #tpu.memory_space<vmem>>
        %dma_wait3A_149 = tpu.memref_squeeze %dma_wait3A_148 : memref<1x128xi32, #tpu.memory_space<vmem>> -> memref<128xi32, #tpu.memory_space<vmem>>
        %dma_wait3A_150 = arith.constant 0 : i32
        %dma_wait3A_151 = arith.constant 0 : i32
        %dma_wait3A_152 = tpu.memref_slice %arg7[%dma_wait3A_150, %dma_wait3A_151] : memref<10240x64xbf16, #tpu.memory_space<vmem_shared>> -> memref<10240x64xbf16, #tpu.memory_space<vmem_shared>>
        %dma_wait3A_153 = tpu.memref_slice %arg12[%dma_wait3A_142] : memref<2x!tpu.dma_semaphore, #tpu.memory_space<semaphore_mem>> -> memref<1x!tpu.dma_semaphore, #tpu.memory_space<semaphore_mem>>
        %dma_wait3A_154 = tpu.memref_squeeze %dma_wait3A_153 : memref<1x!tpu.dma_semaphore, #tpu.memory_space<semaphore_mem>> -> memref<!tpu.dma_semaphore, #tpu.memory_space<semaphore_mem>>
        tpu.wait_indirect_dma semaphore(%dma_wait3A_154 : memref<!tpu.dma_semaphore, #tpu.memory_space<semaphore_mem>>) src(%dma_wait3A_146 : memref<128x64xbf16, #tpu.memory_space<vmem>>) dst(%dma_wait3A_152 : memref<10240x64xbf16, #tpu.memory_space<vmem_shared>>)
      } else {
      }
      %dma_start3A_80 = arith.constant 1 : i32
      %dma_start3A_81 = arith.constant 1 : i32
      %dma_start3A_82 = arith.constant 0 : i32
      %dma_start3A_83 = arith.constant 0 : i32
      %dma_start3A_84 = tpu.memref_slice %arg10[%dma_start3A_80, %dma_start3A_82, %dma_start3A_83] : memref<2x128x64xbf16, #tpu.memory_space<vmem>> -> memref<1x128x64xbf16, #tpu.memory_space<vmem>>
      %dma_start3A_85 = tpu.memref_squeeze %dma_start3A_84 : memref<1x128x64xbf16, #tpu.memory_space<vmem>> -> memref<128x64xbf16, #tpu.memory_space<vmem>>
      %dma_start3A_86 = arith.constant 0 : i32
      %dma_start3A_87 = tpu.memref_slice %arg8[%add3A_49, %dma_start3A_86] : memref<80x128xi32, #tpu.memory_space<vmem>> -> memref<1x128xi32, #tpu.memory_space<vmem>>
      %dma_start3A_88 = tpu.memref_squeeze %dma_start3A_87 : memref<1x128xi32, #tpu.memory_space<vmem>> -> memref<128xi32, #tpu.memory_space<vmem>>
      %dma_start3A_89 = arith.constant 0 : i32
      %dma_start3A_90 = arith.constant 0 : i32
      %dma_start3A_91 = tpu.memref_slice %arg2[%dma_start3A_89, %dma_start3A_90] : memref<10240x64xbf16, #tpu.memory_space<hbm>> -> memref<10240x64xbf16, #tpu.memory_space<hbm>>
      %dma_start3A_92 = tpu.memref_slice %arg11[%dma_start3A_81] : memref<2x!tpu.dma_semaphore, #tpu.memory_space<semaphore_mem>> -> memref<1x!tpu.dma_semaphore, #tpu.memory_space<semaphore_mem>>
      %dma_start3A_93 = tpu.memref_squeeze %dma_start3A_92 : memref<1x!tpu.dma_semaphore, #tpu.memory_space<semaphore_mem>> -> memref<!tpu.dma_semaphore, #tpu.memory_space<semaphore_mem>>
      tpu.enqueue_indirect_dma source(%dma_start3A_91 : memref<10240x64xbf16, #tpu.memory_space<hbm>>) target(%dma_start3A_85 : memref<128x64xbf16, #tpu.memory_space<vmem>>) offsets(%dma_start3A_88 : memref<128xi32, #tpu.memory_space<vmem>>) semaphore(%dma_start3A_93 : memref<!tpu.dma_semaphore, #tpu.memory_space<semaphore_mem>>)
      %dma_wait3A_94 = arith.constant 1 : i32
      %dma_wait3A_95 = arith.constant 1 : i32
      %dma_wait3A_96 = arith.constant 0 : i32
      %dma_wait3A_97 = arith.constant 0 : i32
      %dma_wait3A_98 = tpu.memref_slice %arg10[%dma_wait3A_94, %dma_wait3A_96, %dma_wait3A_97] : memref<2x128x64xbf16, #tpu.memory_space<vmem>> -> memref<1x128x64xbf16, #tpu.memory_space<vmem>>
      %dma_wait3A_99 = tpu.memref_squeeze %dma_wait3A_98 : memref<1x128x64xbf16, #tpu.memory_space<vmem>> -> memref<128x64xbf16, #tpu.memory_space<vmem>>
      %dma_wait3A_100 = arith.constant 0 : i32
      %dma_wait3A_101 = tpu.memref_slice %arg8[%add3A_49, %dma_wait3A_100] : memref<80x128xi32, #tpu.memory_space<vmem>> -> memref<1x128xi32, #tpu.memory_space<vmem>>
      %dma_wait3A_102 = tpu.memref_squeeze %dma_wait3A_101 : memref<1x128xi32, #tpu.memory_space<vmem>> -> memref<128xi32, #tpu.memory_space<vmem>>
      %dma_wait3A_103 = arith.constant 0 : i32
      %dma_wait3A_104 = arith.constant 0 : i32
      %dma_wait3A_105 = tpu.memref_slice %arg2[%dma_wait3A_103, %dma_wait3A_104] : memref<10240x64xbf16, #tpu.memory_space<hbm>> -> memref<10240x64xbf16, #tpu.memory_space<hbm>>
      %dma_wait3A_106 = tpu.memref_slice %arg11[%dma_wait3A_95] : memref<2x!tpu.dma_semaphore, #tpu.memory_space<semaphore_mem>> -> memref<1x!tpu.dma_semaphore, #tpu.memory_space<semaphore_mem>>
      %dma_wait3A_107 = tpu.memref_squeeze %dma_wait3A_106 : memref<1x!tpu.dma_semaphore, #tpu.memory_space<semaphore_mem>> -> memref<!tpu.dma_semaphore, #tpu.memory_space<semaphore_mem>>
      tpu.wait_indirect_dma semaphore(%dma_wait3A_107 : memref<!tpu.dma_semaphore, #tpu.memory_space<semaphore_mem>>) src(%dma_wait3A_105 : memref<10240x64xbf16, #tpu.memory_space<hbm>>) dst(%dma_wait3A_99 : memref<128x64xbf16, #tpu.memory_space<vmem>>)
      %dma_start3A_108 = arith.constant 1 : i32
      %dma_start3A_109 = arith.constant 1 : i32
      %dma_start3A_110 = arith.constant 0 : i32
      %dma_start3A_111 = arith.constant 0 : i32
      %dma_start3A_112 = tpu.memref_slice %arg10[%dma_start3A_108, %dma_start3A_110, %dma_start3A_111] : memref<2x128x64xbf16, #tpu.memory_space<vmem>> -> memref<1x128x64xbf16, #tpu.memory_space<vmem>>
      %dma_start3A_113 = tpu.memref_squeeze %dma_start3A_112 : memref<1x128x64xbf16, #tpu.memory_space<vmem>> -> memref<128x64xbf16, #tpu.memory_space<vmem>>
      %dma_start3A_114 = arith.constant 0 : i32
      %dma_start3A_115 = tpu.memref_slice %arg9[%add3A_49, %dma_start3A_114] : memref<80x128xi32, #tpu.memory_space<vmem>> -> memref<1x128xi32, #tpu.memory_space<vmem>>
      %dma_start3A_116 = tpu.memref_squeeze %dma_start3A_115 : memref<1x128xi32, #tpu.memory_space<vmem>> -> memref<128xi32, #tpu.memory_space<vmem>>
      %dma_start3A_117 = arith.constant 0 : i32
      %dma_start3A_118 = arith.constant 0 : i32
      %dma_start3A_119 = tpu.memref_slice %arg7[%dma_start3A_117, %dma_start3A_118] : memref<10240x64xbf16, #tpu.memory_space<vmem_shared>> -> memref<10240x64xbf16, #tpu.memory_space<vmem_shared>>
      %dma_start3A_120 = tpu.memref_slice %arg12[%dma_start3A_109] : memref<2x!tpu.dma_semaphore, #tpu.memory_space<semaphore_mem>> -> memref<1x!tpu.dma_semaphore, #tpu.memory_space<semaphore_mem>>
      %dma_start3A_121 = tpu.memref_squeeze %dma_start3A_120 : memref<1x!tpu.dma_semaphore, #tpu.memory_space<semaphore_mem>> -> memref<!tpu.dma_semaphore, #tpu.memory_space<semaphore_mem>>
      tpu.enqueue_indirect_dma source(%dma_start3A_113 : memref<128x64xbf16, #tpu.memory_space<vmem>>) target(%dma_start3A_119 : memref<10240x64xbf16, #tpu.memory_space<vmem_shared>>) offsets(%dma_start3A_116 : memref<128xi32, #tpu.memory_space<vmem>>) semaphore(%dma_start3A_121 : memref<!tpu.dma_semaphore, #tpu.memory_space<semaphore_mem>>) {add = true}
      %dma_wait3A_122 = arith.constant 0 : i32
      %dma_wait3A_123 = arith.constant 0 : i32
      %dma_wait3A_124 = arith.constant 0 : i32
      %dma_wait3A_125 = arith.constant 0 : i32
      %dma_wait3A_126 = tpu.memref_slice %arg10[%dma_wait3A_122, %dma_wait3A_124, %dma_wait3A_125] : memref<2x128x64xbf16, #tpu.memory_space<vmem>> -> memref<1x128x64xbf16, #tpu.memory_space<vmem>>
      %dma_wait3A_127 = tpu.memref_squeeze %dma_wait3A_126 : memref<1x128x64xbf16, #tpu.memory_space<vmem>> -> memref<128x64xbf16, #tpu.memory_space<vmem>>
      %dma_wait3A_128 = arith.constant 0 : i32
      %dma_wait3A_129 = tpu.memref_slice %arg9[%mul3A_45, %dma_wait3A_128] : memref<80x128xi32, #tpu.memory_space<vmem>> -> memref<1x128xi32, #tpu.memory_space<vmem>>
      %dma_wait3A_130 = tpu.memref_squeeze %dma_wait3A_129 : memref<1x128xi32, #tpu.memory_space<vmem>> -> memref<128xi32, #tpu.memory_space<vmem>>
      %dma_wait3A_131 = arith.constant 0 : i32
      %dma_wait3A_132 = arith.constant 0 : i32
      %dma_wait3A_133 = tpu.memref_slice %arg7[%dma_wait3A_131, %dma_wait3A_132] : memref<10240x64xbf16, #tpu.memory_space<vmem_shared>> -> memref<10240x64xbf16, #tpu.memory_space<vmem_shared>>
      %dma_wait3A_134 = tpu.memref_slice %arg12[%dma_wait3A_123] : memref<2x!tpu.dma_semaphore, #tpu.memory_space<semaphore_mem>> -> memref<1x!tpu.dma_semaphore, #tpu.memory_space<semaphore_mem>>
      %dma_wait3A_135 = tpu.memref_squeeze %dma_wait3A_134 : memref<1x!tpu.dma_semaphore, #tpu.memory_space<semaphore_mem>> -> memref<!tpu.dma_semaphore, #tpu.memory_space<semaphore_mem>>
      tpu.wait_indirect_dma semaphore(%dma_wait3A_135 : memref<!tpu.dma_semaphore, #tpu.memory_space<semaphore_mem>>) src(%dma_wait3A_127 : memref<128x64xbf16, #tpu.memory_space<vmem>>) dst(%dma_wait3A_133 : memref<10240x64xbf16, #tpu.memory_space<vmem_shared>>)
      %lt3A = arith.constant 39 : i32
      %lt3A_136 = arith.cmpi slt, %scan3A_43, %lt3A : i32
      %convert_element_type3A_137 = arith.extui %lt3A_136 : i1 to i32
      %cond3A_138 = arith.constant 0 : i32
      %cond3A_139 = arith.cmpi ne, %convert_element_type3A_137, %cond3A_138 : i32
      scf.if %cond3A_139 {
        %add3A_140 = arith.constant 2 : i32
        %add3A_141 = arith.addi %mul3A_45, %add3A_140 : i32
        %dma_start3A_142 = arith.constant 0 : i32
        %dma_start3A_143 = arith.constant 0 : i32
        %dma_start3A_144 = arith.constant 0 : i32
        %dma_start3A_145 = arith.constant 0 : i32
        %dma_start3A_146 = tpu.memref_slice %arg10[%dma_start3A_142, %dma_start3A_144, %dma_start3A_145] : memref<2x128x64xbf16, #tpu.memory_space<vmem>> -> memref<1x128x64xbf16, #tpu.memory_space<vmem>>
        %dma_start3A_147 = tpu.memref_squeeze %dma_start3A_146 : memref<1x128x64xbf16, #tpu.memory_space<vmem>> -> memref<128x64xbf16, #tpu.memory_space<vmem>>
        %dma_start3A_148 = arith.constant 0 : i32
        %dma_start3A_149 = tpu.memref_slice %arg8[%add3A_141, %dma_start3A_148] : memref<80x128xi32, #tpu.memory_space<vmem>> -> memref<1x128xi32, #tpu.memory_space<vmem>>
        %dma_start3A_150 = tpu.memref_squeeze %dma_start3A_149 : memref<1x128xi32, #tpu.memory_space<vmem>> -> memref<128xi32, #tpu.memory_space<vmem>>
        %dma_start3A_151 = arith.constant 0 : i32
        %dma_start3A_152 = arith.constant 0 : i32
        %dma_start3A_153 = tpu.memref_slice %arg2[%dma_start3A_151, %dma_start3A_152] : memref<10240x64xbf16, #tpu.memory_space<hbm>> -> memref<10240x64xbf16, #tpu.memory_space<hbm>>
        %dma_start3A_154 = tpu.memref_slice %arg11[%dma_start3A_143] : memref<2x!tpu.dma_semaphore, #tpu.memory_space<semaphore_mem>> -> memref<1x!tpu.dma_semaphore, #tpu.memory_space<semaphore_mem>>
        %dma_start3A_155 = tpu.memref_squeeze %dma_start3A_154 : memref<1x!tpu.dma_semaphore, #tpu.memory_space<semaphore_mem>> -> memref<!tpu.dma_semaphore, #tpu.memory_space<semaphore_mem>>
        tpu.enqueue_indirect_dma source(%dma_start3A_153 : memref<10240x64xbf16, #tpu.memory_space<hbm>>) target(%dma_start3A_147 : memref<128x64xbf16, #tpu.memory_space<vmem>>) offsets(%dma_start3A_150 : memref<128xi32, #tpu.memory_space<vmem>>) semaphore(%dma_start3A_155 : memref<!tpu.dma_semaphore, #tpu.memory_space<semaphore_mem>>)
      } else {
      }
    }
    %scan3A_23 = arith.constant 40 : i32
    %dma_wait3A = arith.constant 1 : i32
    %dma_wait3A_24 = arith.constant 79 : i32
    %dma_wait3A_25 = arith.constant 1 : i32
    %dma_wait3A_26 = arith.constant 0 : i32
    %dma_wait3A_27 = arith.constant 0 : i32
    %dma_wait3A_28 = tpu.memref_slice %arg10[%dma_wait3A, %dma_wait3A_26, %dma_wait3A_27] : memref<2x128x64xbf16, #tpu.memory_space<vmem>> -> memref<1x128x64xbf16, #tpu.memory_space<vmem>>
    %dma_wait3A_29 = tpu.memref_squeeze %dma_wait3A_28 : memref<1x128x64xbf16, #tpu.memory_space<vmem>> -> memref<128x64xbf16, #tpu.memory_space<vmem>>
    %dma_wait3A_30 = arith.constant 0 : i32
    %dma_wait3A_31 = tpu.memref_slice %arg9[%dma_wait3A_24, %dma_wait3A_30] : memref<80x128xi32, #tpu.memory_space<vmem>> -> memref<1x128xi32, #tpu.memory_space<vmem>>
    %dma_wait3A_32 = tpu.memref_squeeze %dma_wait3A_31 : memref<1x128xi32, #tpu.memory_space<vmem>> -> memref<128xi32, #tpu.memory_space<vmem>>
    %dma_wait3A_33 = arith.constant 0 : i32
    %dma_wait3A_34 = arith.constant 0 : i32
    %dma_wait3A_35 = tpu.memref_slice %arg7[%dma_wait3A_33, %dma_wait3A_34] : memref<10240x64xbf16, #tpu.memory_space<vmem_shared>> -> memref<10240x64xbf16, #tpu.memory_space<vmem_shared>>
    %dma_wait3A_36 = tpu.memref_slice %arg12[%dma_wait3A_25] : memref<2x!tpu.dma_semaphore, #tpu.memory_space<semaphore_mem>> -> memref<1x!tpu.dma_semaphore, #tpu.memory_space<semaphore_mem>>
    %dma_wait3A_37 = tpu.memref_squeeze %dma_wait3A_36 : memref<1x!tpu.dma_semaphore, #tpu.memory_space<semaphore_mem>> -> memref<!tpu.dma_semaphore, #tpu.memory_space<semaphore_mem>>
    tpu.wait_indirect_dma semaphore(%dma_wait3A_37 : memref<!tpu.dma_semaphore, #tpu.memory_space<semaphore_mem>>) src(%dma_wait3A_29 : memref<128x64xbf16, #tpu.memory_space<vmem>>) dst(%dma_wait3A_35 : memref<10240x64xbf16, #tpu.memory_space<vmem_shared>>)
    %barrier3A_38 = arith.constant 0 : index
    tpu.barrier barrier_id(%barrier3A_38)
    %mul3A_39 = arith.constant 640 : i32
    %mul3A_40 = arith.muli %arg1, %mul3A_39 : i32
    %mul3A_41 = arith.constant 640 : i32
    %mul3A_42 = arith.muli %arg1, %mul3A_41 : i32
    "tpu.region"() ({
      %run_scoped3A = tpu.sem_alloc : memref<!tpu.dma_semaphore, #tpu.memory_space<semaphore_mem>>
      %dma_start3A_43 = arith.constant 0 : i32
      %dma_start3A_44 = arith.constant 0 : i32
      %dma_start3A_45 = tpu.memref_slice %arg6[%arg0, %dma_start3A_43, %dma_start3A_44] : memref<2x10240x64xbf16, #tpu.memory_space<hbm>> -> memref<1x10240x64xbf16, #tpu.memory_space<hbm>>
      %dma_start3A_46 = tpu.memref_squeeze %dma_start3A_45 : memref<1x10240x64xbf16, #tpu.memory_space<hbm>> -> memref<10240x64xbf16, #tpu.memory_space<hbm>>
      %dma_start3A_47 = arith.constant 0 : i32
      %dma_start3A_48 = tpu.memref_slice %dma_start3A_46[%mul3A_42, %dma_start3A_47] : memref<10240x64xbf16, #tpu.memory_space<hbm>> -> memref<640x64xbf16, #tpu.memory_space<hbm>>
      %dma_start3A_49 = arith.constant 0 : i32
      %dma_start3A_50 = tpu.memref_slice %arg7[%mul3A_40, %dma_start3A_49] : memref<10240x64xbf16, #tpu.memory_space<vmem_shared>> -> memref<640x64xbf16, #tpu.memory_space<vmem_shared>>
      tpu.enqueue_dma source(%dma_start3A_50 : memref<640x64xbf16, #tpu.memory_space<vmem_shared>>) target(%dma_start3A_48 : memref<640x64xbf16, #tpu.memory_space<hbm>>) target_semaphore(%run_scoped3A : memref<!tpu.dma_semaphore, #tpu.memory_space<semaphore_mem>>)
      %dma_wait3A_51 = arith.constant 0 : i32
      %dma_wait3A_52 = arith.constant 0 : i32
      %dma_wait3A_53 = tpu.memref_slice %arg6[%arg0, %dma_wait3A_51, %dma_wait3A_52] : memref<2x10240x64xbf16, #tpu.memory_space<hbm>> -> memref<1x10240x64xbf16, #tpu.memory_space<hbm>>
      %dma_wait3A_54 = tpu.memref_squeeze %dma_wait3A_53 : memref<1x10240x64xbf16, #tpu.memory_space<hbm>> -> memref<10240x64xbf16, #tpu.memory_space<hbm>>
      %dma_wait3A_55 = arith.constant 0 : i32
      %dma_wait3A_56 = tpu.memref_slice %dma_wait3A_54[%mul3A_42, %dma_wait3A_55] : memref<10240x64xbf16, #tpu.memory_space<hbm>> -> memref<640x64xbf16, #tpu.memory_space<hbm>>
      %dma_wait3A_57 = arith.constant 0 : i32
      %dma_wait3A_58 = tpu.memref_slice %arg7[%mul3A_40, %dma_wait3A_57] : memref<10240x64xbf16, #tpu.memory_space<vmem_shared>> -> memref<640x64xbf16, #tpu.memory_space<vmem_shared>>
      tpu.wait_dma2 semaphore(%run_scoped3A : memref<!tpu.dma_semaphore, #tpu.memory_space<semaphore_mem>>) src(%dma_wait3A_58 : memref<640x64xbf16, #tpu.memory_space<vmem_shared>>) dst(%dma_wait3A_56 : memref<640x64xbf16, #tpu.memory_space<hbm>>)
      tpu.yield
    }) : () -> ()
    return
  }
}

#map = affine_map<(d0, d1) -> (0)>
#map1 = affine_map<(d0, d1) -> (0, 0)>
module attributes {stable_mosaic.version = 14 : i64} {
  func.func @_deg(%arg0: i32, %arg1: i32, %arg2: memref<327680xi32, #tpu.memory_space<hbm>>, %arg3: memref<128xf32, #tpu.memory_space<hbm>>, %arg4: memref<10240xf32, #tpu.memory_space<hbm>>, %arg5: memref<2x10240xf32, #tpu.memory_space<hbm>>, %arg6: memref<10240xf32, #tpu.memory_space<vmem_shared>>, %arg7: memref<128xi32, #tpu.memory_space<vmem>>, %arg8: memref<128xf32, #tpu.memory_space<vmem>>) attributes {dimension_semantics = [#tpu.dimension_semantics<core_parallel>, #tpu.dimension_semantics<subcore_parallel>], iteration_bounds = array<i64: 2, 16>, scalar_prefetch = 0 : i64, scratch_operands = 3 : i64, tpu.core_type = #tpu.core_type<sc_vector_subcore>, window_params = [{transform_indices = #map}, {transform_indices = #map}, {transform_indices = #map}, {transform_indices = #map1}]} {
    %mul3A = arith.constant 2 : i32
    %mul3A_0 = arith.muli %arg1, %mul3A : i32
    %add3A = arith.addi %mul3A_0, %arg0 : i32
    %mul3A_1 = arith.constant 640 : i32
    %mul3A_2 = arith.muli %arg1, %mul3A_1 : i32
    %mul3A_3 = arith.constant 640 : i32
    %mul3A_4 = arith.muli %arg1, %mul3A_3 : i32
    "tpu.region"() ({
      %run_scoped3A = tpu.sem_alloc : memref<!tpu.dma_semaphore, #tpu.memory_space<semaphore_mem>>
      %dma_start3A = tpu.memref_slice %arg6[%mul3A_4] : memref<10240xf32, #tpu.memory_space<vmem_shared>> -> memref<640xf32, #tpu.memory_space<vmem_shared>>
      %dma_start3A_17 = tpu.memref_slice %arg4[%mul3A_2] : memref<10240xf32, #tpu.memory_space<hbm>> -> memref<640xf32, #tpu.memory_space<hbm>>
      tpu.enqueue_dma source(%dma_start3A_17 : memref<640xf32, #tpu.memory_space<hbm>>) target(%dma_start3A : memref<640xf32, #tpu.memory_space<vmem_shared>>) target_semaphore(%run_scoped3A : memref<!tpu.dma_semaphore, #tpu.memory_space<semaphore_mem>>)
      %dma_wait3A = tpu.memref_slice %arg6[%mul3A_4] : memref<10240xf32, #tpu.memory_space<vmem_shared>> -> memref<640xf32, #tpu.memory_space<vmem_shared>>
      %dma_wait3A_18 = tpu.memref_slice %arg4[%mul3A_2] : memref<10240xf32, #tpu.memory_space<hbm>> -> memref<640xf32, #tpu.memory_space<hbm>>
      tpu.wait_dma2 semaphore(%run_scoped3A : memref<!tpu.dma_semaphore, #tpu.memory_space<semaphore_mem>>) src(%dma_wait3A_18 : memref<640xf32, #tpu.memory_space<hbm>>) dst(%dma_wait3A : memref<640xf32, #tpu.memory_space<vmem_shared>>)
      tpu.yield
    }) : () -> ()
    "tpu.region"() ({
      %run_scoped3A = tpu.sem_alloc : memref<!tpu.dma_semaphore, #tpu.memory_space<semaphore_mem>>
      tpu.enqueue_dma source(%arg3 : memref<128xf32, #tpu.memory_space<hbm>>) target(%arg8 : memref<128xf32, #tpu.memory_space<vmem>>) target_semaphore(%run_scoped3A : memref<!tpu.dma_semaphore, #tpu.memory_space<semaphore_mem>>)
      tpu.wait_dma2 semaphore(%run_scoped3A : memref<!tpu.dma_semaphore, #tpu.memory_space<semaphore_mem>>) src(%arg3 : memref<128xf32, #tpu.memory_space<hbm>>) dst(%arg8 : memref<128xf32, #tpu.memory_space<vmem>>)
      tpu.yield
    }) : () -> ()
    %barrier3A = arith.constant 0 : index
    tpu.barrier barrier_id(%barrier3A)
    %mul3A_5 = arith.constant 10240 : i32
    %mul3A_6 = arith.muli %add3A, %mul3A_5 : i32
    %scan3A = arith.constant 0 : i32
    %scan3A_7 = arith.constant 0 : i32
    %scan3A_8 = arith.constant 80 : i32
    %scan3A_9 = arith.addi %scan3A_7, %scan3A_8 : i32
    %scan3A_10 = arith.constant 1 : i32
    scf.for %scan3A_17 = %scan3A_7 to %scan3A_9 step %scan3A_10  : i32 {
      %mul3A_18 = arith.constant 128 : i32
      %mul3A_19 = arith.muli %scan3A_17, %mul3A_18 : i32
      %add3A_20 = arith.addi %mul3A_6, %mul3A_19 : i32
      "tpu.region"() ({
        %run_scoped3A = tpu.sem_alloc : memref<!tpu.dma_semaphore, #tpu.memory_space<semaphore_mem>>
        %dma_start3A = tpu.memref_slice %arg2[%add3A_20] : memref<327680xi32, #tpu.memory_space<hbm>> -> memref<128xi32, #tpu.memory_space<hbm>>
        %dma_start3A_21 = tpu.memref_slice %arg2[%add3A_20] : memref<327680xi32, #tpu.memory_space<hbm>> -> memref<128xi32, #tpu.memory_space<hbm>>
        tpu.enqueue_dma source(%dma_start3A_21 : memref<128xi32, #tpu.memory_space<hbm>>) target(%arg7 : memref<128xi32, #tpu.memory_space<vmem>>) target_semaphore(%run_scoped3A : memref<!tpu.dma_semaphore, #tpu.memory_space<semaphore_mem>>)
        %dma_wait3A = tpu.memref_slice %arg2[%add3A_20] : memref<327680xi32, #tpu.memory_space<hbm>> -> memref<128xi32, #tpu.memory_space<hbm>>
        %dma_wait3A_22 = tpu.memref_slice %arg2[%add3A_20] : memref<327680xi32, #tpu.memory_space<hbm>> -> memref<128xi32, #tpu.memory_space<hbm>>
        tpu.wait_dma2 semaphore(%run_scoped3A : memref<!tpu.dma_semaphore, #tpu.memory_space<semaphore_mem>>) src(%dma_wait3A_22 : memref<128xi32, #tpu.memory_space<hbm>>) dst(%arg7 : memref<128xi32, #tpu.memory_space<vmem>>)
        tpu.yield
      }) : () -> ()
      "tpu.region"() ({
        %run_scoped3A = tpu.sem_alloc : memref<!tpu.dma_semaphore, #tpu.memory_space<semaphore_mem>>
        %dma_start3A = arith.constant 0 : i32
        %dma_start3A_21 = tpu.memref_slice %arg6[%dma_start3A] : memref<10240xf32, #tpu.memory_space<vmem_shared>> -> memref<10240xf32, #tpu.memory_space<vmem_shared>>
        tpu.enqueue_indirect_dma source(%arg8 : memref<128xf32, #tpu.memory_space<vmem>>) target(%dma_start3A_21 : memref<10240xf32, #tpu.memory_space<vmem_shared>>) offsets(%arg7 : memref<128xi32, #tpu.memory_space<vmem>>) semaphore(%run_scoped3A : memref<!tpu.dma_semaphore, #tpu.memory_space<semaphore_mem>>) {add = true}
        %dma_wait3A = arith.constant 0 : i32
        %dma_wait3A_22 = tpu.memref_slice %arg6[%dma_wait3A] : memref<10240xf32, #tpu.memory_space<vmem_shared>> -> memref<10240xf32, #tpu.memory_space<vmem_shared>>
        tpu.wait_indirect_dma semaphore(%run_scoped3A : memref<!tpu.dma_semaphore, #tpu.memory_space<semaphore_mem>>) src(%arg8 : memref<128xf32, #tpu.memory_space<vmem>>) dst(%dma_wait3A_22 : memref<10240xf32, #tpu.memory_space<vmem_shared>>)
        tpu.yield
      }) : () -> ()
    }
    %scan3A_11 = arith.constant 80 : i32
    %barrier3A_12 = arith.constant 0 : index
    tpu.barrier barrier_id(%barrier3A_12)
    %mul3A_13 = arith.constant 640 : i32
    %mul3A_14 = arith.muli %arg1, %mul3A_13 : i32
    %mul3A_15 = arith.constant 640 : i32
    %mul3A_16 = arith.muli %arg1, %mul3A_15 : i32
    "tpu.region"() ({
      %run_scoped3A = tpu.sem_alloc : memref<!tpu.dma_semaphore, #tpu.memory_space<semaphore_mem>>
      %dma_start3A = arith.constant 0 : i32
      %dma_start3A_17 = tpu.memref_slice %arg5[%arg0, %dma_start3A] : memref<2x10240xf32, #tpu.memory_space<hbm>> -> memref<1x10240xf32, #tpu.memory_space<hbm>>
      %dma_start3A_18 = tpu.memref_squeeze %dma_start3A_17 : memref<1x10240xf32, #tpu.memory_space<hbm>> -> memref<10240xf32, #tpu.memory_space<hbm>>
      %dma_start3A_19 = tpu.memref_slice %dma_start3A_18[%mul3A_16] : memref<10240xf32, #tpu.memory_space<hbm>> -> memref<640xf32, #tpu.memory_space<hbm>>
      %dma_start3A_20 = tpu.memref_slice %arg6[%mul3A_14] : memref<10240xf32, #tpu.memory_space<vmem_shared>> -> memref<640xf32, #tpu.memory_space<vmem_shared>>
      tpu.enqueue_dma source(%dma_start3A_20 : memref<640xf32, #tpu.memory_space<vmem_shared>>) target(%dma_start3A_19 : memref<640xf32, #tpu.memory_space<hbm>>) target_semaphore(%run_scoped3A : memref<!tpu.dma_semaphore, #tpu.memory_space<semaphore_mem>>)
      %dma_wait3A = arith.constant 0 : i32
      %dma_wait3A_21 = tpu.memref_slice %arg5[%arg0, %dma_wait3A] : memref<2x10240xf32, #tpu.memory_space<hbm>> -> memref<1x10240xf32, #tpu.memory_space<hbm>>
      %dma_wait3A_22 = tpu.memref_squeeze %dma_wait3A_21 : memref<1x10240xf32, #tpu.memory_space<hbm>> -> memref<10240xf32, #tpu.memory_space<hbm>>
      %dma_wait3A_23 = tpu.memref_slice %dma_wait3A_22[%mul3A_16] : memref<10240xf32, #tpu.memory_space<hbm>> -> memref<640xf32, #tpu.memory_space<hbm>>
      %dma_wait3A_24 = tpu.memref_slice %arg6[%mul3A_14] : memref<10240xf32, #tpu.memory_space<vmem_shared>> -> memref<640xf32, #tpu.memory_space<vmem_shared>>
      tpu.wait_dma2 semaphore(%run_scoped3A : memref<!tpu.dma_semaphore, #tpu.memory_space<semaphore_mem>>) src(%dma_wait3A_24 : memref<640xf32, #tpu.memory_space<vmem_shared>>) dst(%dma_wait3A_23 : memref<640xf32, #tpu.memory_space<hbm>>)
      tpu.yield
    }) : () -> ()
    return
  }
}

#map = affine_map<(d0, d1) -> (0, 0)>
#map1 = affine_map<(d0, d1) -> (0, 0, 0)>
module attributes {stable_mosaic.version = 14 : i64} {
  func.func @_agg(%arg0: i32, %arg1: i32, %arg2: memref<10240x64xbf16, #tpu.memory_space<hbm>>, %arg3: memref<32x80x128xi32, #tpu.memory_space<hbm>>, %arg4: memref<32x80x128xi32, #tpu.memory_space<hbm>>, %arg5: memref<10240x64xbf16, #tpu.memory_space<hbm>>, %arg6: memref<2x10240x64xbf16, #tpu.memory_space<hbm>>, %arg7: memref<10240x64xbf16, #tpu.memory_space<vmem_shared>>, %arg8: memref<80x128xi32, #tpu.memory_space<vmem>>, %arg9: memref<80x128xi32, #tpu.memory_space<vmem>>, %arg10: memref<2x128x64xbf16, #tpu.memory_space<vmem>>, %arg11: memref<2x!tpu.dma_semaphore, #tpu.memory_space<semaphore_mem>>, %arg12: memref<2x!tpu.dma_semaphore, #tpu.memory_space<semaphore_mem>>) attributes {dimension_semantics = [#tpu.dimension_semantics<core_parallel>, #tpu.dimension_semantics<subcore_parallel>], iteration_bounds = array<i64: 2, 16>, scalar_prefetch = 0 : i64, scratch_operands = 6 : i64, tpu.core_type = #tpu.core_type<sc_vector_subcore>, window_params = [{transform_indices = #map}, {transform_indices = #map1}, {transform_indices = #map1}, {transform_indices = #map}, {transform_indices = #map1}]} {
    %mul3A = arith.constant 2 : i32
    %mul3A_0 = arith.muli %arg1, %mul3A : i32
    %add3A = arith.addi %mul3A_0, %arg0 : i32
    %mul3A_1 = arith.constant 640 : i32
    %mul3A_2 = arith.muli %arg1, %mul3A_1 : i32
    %mul3A_3 = arith.constant 640 : i32
    %mul3A_4 = arith.muli %arg1, %mul3A_3 : i32
    "tpu.region"() ({
      %run_scoped3A = tpu.sem_alloc : memref<!tpu.dma_semaphore, #tpu.memory_space<semaphore_mem>>
      %dma_start3A_43 = arith.constant 0 : i32
      %dma_start3A_44 = tpu.memref_slice %arg7[%mul3A_4, %dma_start3A_43] : memref<10240x64xbf16, #tpu.memory_space<vmem_shared>> -> memref<640x64xbf16, #tpu.memory_space<vmem_shared>>
      %dma_start3A_45 = arith.constant 0 : i32
      %dma_start3A_46 = tpu.memref_slice %arg5[%mul3A_2, %dma_start3A_45] : memref<10240x64xbf16, #tpu.memory_space<hbm>> -> memref<640x64xbf16, #tpu.memory_space<hbm>>
      tpu.enqueue_dma source(%dma_start3A_46 : memref<640x64xbf16, #tpu.memory_space<hbm>>) target(%dma_start3A_44 : memref<640x64xbf16, #tpu.memory_space<vmem_shared>>) target_semaphore(%run_scoped3A : memref<!tpu.dma_semaphore, #tpu.memory_space<semaphore_mem>>)
      %dma_wait3A_47 = arith.constant 0 : i32
      %dma_wait3A_48 = tpu.memref_slice %arg7[%mul3A_4, %dma_wait3A_47] : memref<10240x64xbf16, #tpu.memory_space<vmem_shared>> -> memref<640x64xbf16, #tpu.memory_space<vmem_shared>>
      %dma_wait3A_49 = arith.constant 0 : i32
      %dma_wait3A_50 = tpu.memref_slice %arg5[%mul3A_2, %dma_wait3A_49] : memref<10240x64xbf16, #tpu.memory_space<hbm>> -> memref<640x64xbf16, #tpu.memory_space<hbm>>
      tpu.wait_dma2 semaphore(%run_scoped3A : memref<!tpu.dma_semaphore, #tpu.memory_space<semaphore_mem>>) src(%dma_wait3A_50 : memref<640x64xbf16, #tpu.memory_space<hbm>>) dst(%dma_wait3A_48 : memref<640x64xbf16, #tpu.memory_space<vmem_shared>>)
      tpu.yield
    }) : () -> ()
    "tpu.region"() ({
      %run_scoped3A = tpu.sem_alloc : memref<!tpu.dma_semaphore, #tpu.memory_space<semaphore_mem>>
      %dma_start3A_43 = arith.constant 0 : i32
      %dma_start3A_44 = arith.constant 0 : i32
      %dma_start3A_45 = tpu.memref_slice %arg3[%add3A, %dma_start3A_43, %dma_start3A_44] : memref<32x80x128xi32, #tpu.memory_space<hbm>> -> memref<1x80x128xi32, #tpu.memory_space<hbm>>
      %dma_start3A_46 = tpu.memref_squeeze %dma_start3A_45 : memref<1x80x128xi32, #tpu.memory_space<hbm>> -> memref<80x128xi32, #tpu.memory_space<hbm>>
      %dma_start3A_47 = arith.constant 0 : i32
      %dma_start3A_48 = arith.constant 0 : i32
      %dma_start3A_49 = tpu.memref_slice %arg3[%add3A, %dma_start3A_47, %dma_start3A_48] : memref<32x80x128xi32, #tpu.memory_space<hbm>> -> memref<1x80x128xi32, #tpu.memory_space<hbm>>
      %dma_start3A_50 = tpu.memref_squeeze %dma_start3A_49 : memref<1x80x128xi32, #tpu.memory_space<hbm>> -> memref<80x128xi32, #tpu.memory_space<hbm>>
      tpu.enqueue_dma source(%dma_start3A_50 : memref<80x128xi32, #tpu.memory_space<hbm>>) target(%arg8 : memref<80x128xi32, #tpu.memory_space<vmem>>) target_semaphore(%run_scoped3A : memref<!tpu.dma_semaphore, #tpu.memory_space<semaphore_mem>>)
      %dma_wait3A_51 = arith.constant 0 : i32
      %dma_wait3A_52 = arith.constant 0 : i32
      %dma_wait3A_53 = tpu.memref_slice %arg3[%add3A, %dma_wait3A_51, %dma_wait3A_52] : memref<32x80x128xi32, #tpu.memory_space<hbm>> -> memref<1x80x128xi32, #tpu.memory_space<hbm>>
      %dma_wait3A_54 = tpu.memref_squeeze %dma_wait3A_53 : memref<1x80x128xi32, #tpu.memory_space<hbm>> -> memref<80x128xi32, #tpu.memory_space<hbm>>
      %dma_wait3A_55 = arith.constant 0 : i32
      %dma_wait3A_56 = arith.constant 0 : i32
      %dma_wait3A_57 = tpu.memref_slice %arg3[%add3A, %dma_wait3A_55, %dma_wait3A_56] : memref<32x80x128xi32, #tpu.memory_space<hbm>> -> memref<1x80x128xi32, #tpu.memory_space<hbm>>
      %dma_wait3A_58 = tpu.memref_squeeze %dma_wait3A_57 : memref<1x80x128xi32, #tpu.memory_space<hbm>> -> memref<80x128xi32, #tpu.memory_space<hbm>>
      tpu.wait_dma2 semaphore(%run_scoped3A : memref<!tpu.dma_semaphore, #tpu.memory_space<semaphore_mem>>) src(%dma_wait3A_58 : memref<80x128xi32, #tpu.memory_space<hbm>>) dst(%arg8 : memref<80x128xi32, #tpu.memory_space<vmem>>)
      tpu.yield
    }) : () -> ()
    "tpu.region"() ({
      %run_scoped3A = tpu.sem_alloc : memref<!tpu.dma_semaphore, #tpu.memory_space<semaphore_mem>>
      %dma_start3A_43 = arith.constant 0 : i32
      %dma_start3A_44 = arith.constant 0 : i32
      %dma_start3A_45 = tpu.memref_slice %arg4[%add3A, %dma_start3A_43, %dma_start3A_44] : memref<32x80x128xi32, #tpu.memory_space<hbm>> -> memref<1x80x128xi32, #tpu.memory_space<hbm>>
      %dma_start3A_46 = tpu.memref_squeeze %dma_start3A_45 : memref<1x80x128xi32, #tpu.memory_space<hbm>> -> memref<80x128xi32, #tpu.memory_space<hbm>>
      %dma_start3A_47 = arith.constant 0 : i32
      %dma_start3A_48 = arith.constant 0 : i32
      %dma_start3A_49 = tpu.memref_slice %arg4[%add3A, %dma_start3A_47, %dma_start3A_48] : memref<32x80x128xi32, #tpu.memory_space<hbm>> -> memref<1x80x128xi32, #tpu.memory_space<hbm>>
      %dma_start3A_50 = tpu.memref_squeeze %dma_start3A_49 : memref<1x80x128xi32, #tpu.memory_space<hbm>> -> memref<80x128xi32, #tpu.memory_space<hbm>>
      tpu.enqueue_dma source(%dma_start3A_50 : memref<80x128xi32, #tpu.memory_space<hbm>>) target(%arg9 : memref<80x128xi32, #tpu.memory_space<vmem>>) target_semaphore(%run_scoped3A : memref<!tpu.dma_semaphore, #tpu.memory_space<semaphore_mem>>)
      %dma_wait3A_51 = arith.constant 0 : i32
      %dma_wait3A_52 = arith.constant 0 : i32
      %dma_wait3A_53 = tpu.memref_slice %arg4[%add3A, %dma_wait3A_51, %dma_wait3A_52] : memref<32x80x128xi32, #tpu.memory_space<hbm>> -> memref<1x80x128xi32, #tpu.memory_space<hbm>>
      %dma_wait3A_54 = tpu.memref_squeeze %dma_wait3A_53 : memref<1x80x128xi32, #tpu.memory_space<hbm>> -> memref<80x128xi32, #tpu.memory_space<hbm>>
      %dma_wait3A_55 = arith.constant 0 : i32
      %dma_wait3A_56 = arith.constant 0 : i32
      %dma_wait3A_57 = tpu.memref_slice %arg4[%add3A, %dma_wait3A_55, %dma_wait3A_56] : memref<32x80x128xi32, #tpu.memory_space<hbm>> -> memref<1x80x128xi32, #tpu.memory_space<hbm>>
      %dma_wait3A_58 = tpu.memref_squeeze %dma_wait3A_57 : memref<1x80x128xi32, #tpu.memory_space<hbm>> -> memref<80x128xi32, #tpu.memory_space<hbm>>
      tpu.wait_dma2 semaphore(%run_scoped3A : memref<!tpu.dma_semaphore, #tpu.memory_space<semaphore_mem>>) src(%dma_wait3A_58 : memref<80x128xi32, #tpu.memory_space<hbm>>) dst(%arg9 : memref<80x128xi32, #tpu.memory_space<vmem>>)
      tpu.yield
    }) : () -> ()
    %barrier3A = arith.constant 0 : index
    tpu.barrier barrier_id(%barrier3A)
    %dma_start3A = arith.constant 0 : i32
    %dma_start3A_5 = arith.constant 0 : i32
    %dma_start3A_6 = arith.constant 0 : i32
    %dma_start3A_7 = arith.constant 0 : i32
    %dma_start3A_8 = arith.constant 0 : i32
    %dma_start3A_9 = tpu.memref_slice %arg10[%dma_start3A_5, %dma_start3A_7, %dma_start3A_8] : memref<2x128x64xbf16, #tpu.memory_space<vmem>> -> memref<1x128x64xbf16, #tpu.memory_space<vmem>>
    %dma_start3A_10 = tpu.memref_squeeze %dma_start3A_9 : memref<1x128x64xbf16, #tpu.memory_space<vmem>> -> memref<128x64xbf16, #tpu.memory_space<vmem>>
    %dma_start3A_11 = arith.constant 0 : i32
    %dma_start3A_12 = tpu.memref_slice %arg8[%dma_start3A, %dma_start3A_11] : memref<80x128xi32, #tpu.memory_space<vmem>> -> memref<1x128xi32, #tpu.memory_space<vmem>>
    %dma_start3A_13 = tpu.memref_squeeze %dma_start3A_12 : memref<1x128xi32, #tpu.memory_space<vmem>> -> memref<128xi32, #tpu.memory_space<vmem>>
    %dma_start3A_14 = arith.constant 0 : i32
    %dma_start3A_15 = arith.constant 0 : i32
    %dma_start3A_16 = tpu.memref_slice %arg2[%dma_start3A_14, %dma_start3A_15] : memref<10240x64xbf16, #tpu.memory_space<hbm>> -> memref<10240x64xbf16, #tpu.memory_space<hbm>>
    %dma_start3A_17 = tpu.memref_slice %arg11[%dma_start3A_6] : memref<2x!tpu.dma_semaphore, #tpu.memory_space<semaphore_mem>> -> memref<1x!tpu.dma_semaphore, #tpu.memory_space<semaphore_mem>>
    %dma_start3A_18 = tpu.memref_squeeze %dma_start3A_17 : memref<1x!tpu.dma_semaphore, #tpu.memory_space<semaphore_mem>> -> memref<!tpu.dma_semaphore, #tpu.memory_space<semaphore_mem>>
    tpu.enqueue_indirect_dma source(%dma_start3A_16 : memref<10240x64xbf16, #tpu.memory_space<hbm>>) target(%dma_start3A_10 : memref<128x64xbf16, #tpu.memory_space<vmem>>) offsets(%dma_start3A_13 : memref<128xi32, #tpu.memory_space<vmem>>) semaphore(%dma_start3A_18 : memref<!tpu.dma_semaphore, #tpu.memory_space<semaphore_mem>>)
    %scan3A = arith.constant 0 : i32
    %scan3A_19 = arith.constant 0 : i32
    %scan3A_20 = arith.constant 40 : i32
    %scan3A_21 = arith.addi %scan3A_19, %scan3A_20 : i32
    %scan3A_22 = arith.constant 1 : i32
    scf.for %scan3A_43 = %scan3A_19 to %scan3A_21 step %scan3A_22  : i32 {
      %mul3A_44 = arith.constant 2 : i32
      %mul3A_45 = arith.muli %mul3A_44, %scan3A_43 : i32
      %mul3A_46 = arith.constant 2 : i32
      %mul3A_47 = arith.muli %mul3A_46, %scan3A_43 : i32
      %add3A_48 = arith.constant 1 : i32
      %add3A_49 = arith.addi %mul3A_47, %add3A_48 : i32
      %dma_wait3A_50 = arith.constant 0 : i32
      %dma_wait3A_51 = arith.constant 0 : i32
      %dma_wait3A_52 = arith.constant 0 : i32
      %dma_wait3A_53 = arith.constant 0 : i32
      %dma_wait3A_54 = tpu.memref_slice %arg10[%dma_wait3A_50, %dma_wait3A_52, %dma_wait3A_53] : memref<2x128x64xbf16, #tpu.memory_space<vmem>> -> memref<1x128x64xbf16, #tpu.memory_space<vmem>>
      %dma_wait3A_55 = tpu.memref_squeeze %dma_wait3A_54 : memref<1x128x64xbf16, #tpu.memory_space<vmem>> -> memref<128x64xbf16, #tpu.memory_space<vmem>>
      %dma_wait3A_56 = arith.constant 0 : i32
      %dma_wait3A_57 = tpu.memref_slice %arg8[%mul3A_45, %dma_wait3A_56] : memref<80x128xi32, #tpu.memory_space<vmem>> -> memref<1x128xi32, #tpu.memory_space<vmem>>
      %dma_wait3A_58 = tpu.memref_squeeze %dma_wait3A_57 : memref<1x128xi32, #tpu.memory_space<vmem>> -> memref<128xi32, #tpu.memory_space<vmem>>
      %dma_wait3A_59 = arith.constant 0 : i32
      %dma_wait3A_60 = arith.constant 0 : i32
      %dma_wait3A_61 = tpu.memref_slice %arg2[%dma_wait3A_59, %dma_wait3A_60] : memref<10240x64xbf16, #tpu.memory_space<hbm>> -> memref<10240x64xbf16, #tpu.memory_space<hbm>>
      %dma_wait3A_62 = tpu.memref_slice %arg11[%dma_wait3A_51] : memref<2x!tpu.dma_semaphore, #tpu.memory_space<semaphore_mem>> -> memref<1x!tpu.dma_semaphore, #tpu.memory_space<semaphore_mem>>
      %dma_wait3A_63 = tpu.memref_squeeze %dma_wait3A_62 : memref<1x!tpu.dma_semaphore, #tpu.memory_space<semaphore_mem>> -> memref<!tpu.dma_semaphore, #tpu.memory_space<semaphore_mem>>
      tpu.wait_indirect_dma semaphore(%dma_wait3A_63 : memref<!tpu.dma_semaphore, #tpu.memory_space<semaphore_mem>>) src(%dma_wait3A_61 : memref<10240x64xbf16, #tpu.memory_space<hbm>>) dst(%dma_wait3A_55 : memref<128x64xbf16, #tpu.memory_space<vmem>>)
      %dma_start3A_64 = arith.constant 0 : i32
      %dma_start3A_65 = arith.constant 0 : i32
      %dma_start3A_66 = arith.constant 0 : i32
      %dma_start3A_67 = arith.constant 0 : i32
      %dma_start3A_68 = tpu.memref_slice %arg10[%dma_start3A_64, %dma_start3A_66, %dma_start3A_67] : memref<2x128x64xbf16, #tpu.memory_space<vmem>> -> memref<1x128x64xbf16, #tpu.memory_space<vmem>>
      %dma_start3A_69 = tpu.memref_squeeze %dma_start3A_68 : memref<1x128x64xbf16, #tpu.memory_space<vmem>> -> memref<128x64xbf16, #tpu.memory_space<vmem>>
      %dma_start3A_70 = arith.constant 0 : i32
      %dma_start3A_71 = tpu.memref_slice %arg9[%mul3A_45, %dma_start3A_70] : memref<80x128xi32, #tpu.memory_space<vmem>> -> memref<1x128xi32, #tpu.memory_space<vmem>>
      %dma_start3A_72 = tpu.memref_squeeze %dma_start3A_71 : memref<1x128xi32, #tpu.memory_space<vmem>> -> memref<128xi32, #tpu.memory_space<vmem>>
      %dma_start3A_73 = arith.constant 0 : i32
      %dma_start3A_74 = arith.constant 0 : i32
      %dma_start3A_75 = tpu.memref_slice %arg7[%dma_start3A_73, %dma_start3A_74] : memref<10240x64xbf16, #tpu.memory_space<vmem_shared>> -> memref<10240x64xbf16, #tpu.memory_space<vmem_shared>>
      %dma_start3A_76 = tpu.memref_slice %arg12[%dma_start3A_65] : memref<2x!tpu.dma_semaphore, #tpu.memory_space<semaphore_mem>> -> memref<1x!tpu.dma_semaphore, #tpu.memory_space<semaphore_mem>>
      %dma_start3A_77 = tpu.memref_squeeze %dma_start3A_76 : memref<1x!tpu.dma_semaphore, #tpu.memory_space<semaphore_mem>> -> memref<!tpu.dma_semaphore, #tpu.memory_space<semaphore_mem>>
      tpu.enqueue_indirect_dma source(%dma_start3A_69 : memref<128x64xbf16, #tpu.memory_space<vmem>>) target(%dma_start3A_75 : memref<10240x64xbf16, #tpu.memory_space<vmem_shared>>) offsets(%dma_start3A_72 : memref<128xi32, #tpu.memory_space<vmem>>) semaphore(%dma_start3A_77 : memref<!tpu.dma_semaphore, #tpu.memory_space<semaphore_mem>>) {add = true}
      %gt3A = arith.constant 0 : i32
      %gt3A_78 = arith.cmpi sgt, %scan3A_43, %gt3A : i32
      %convert_element_type3A = arith.extui %gt3A_78 : i1 to i32
      %cond3A = arith.constant 0 : i32
      %cond3A_79 = arith.cmpi ne, %convert_element_type3A, %cond3A : i32
      scf.if %cond3A_79 {
        %sub3A = arith.constant 2 : i32
        %sub3A_140 = arith.subi %add3A_49, %sub3A : i32
        %dma_wait3A_141 = arith.constant 1 : i32
        %dma_wait3A_142 = arith.constant 1 : i32
        %dma_wait3A_143 = arith.constant 0 : i32
        %dma_wait3A_144 = arith.constant 0 : i32
        %dma_wait3A_145 = tpu.memref_slice %arg10[%dma_wait3A_141, %dma_wait3A_143, %dma_wait3A_144] : memref<2x128x64xbf16, #tpu.memory_space<vmem>> -> memref<1x128x64xbf16, #tpu.memory_space<vmem>>
        %dma_wait3A_146 = tpu.memref_squeeze %dma_wait3A_145 : memref<1x128x64xbf16, #tpu.memory_space<vmem>> -> memref<128x64xbf16, #tpu.memory_space<vmem>>
        %dma_wait3A_147 = arith.constant 0 : i32
        %dma_wait3A_148 = tpu.memref_slice %arg9[%sub3A_140, %dma_wait3A_147] : memref<80x128xi32, #tpu.memory_space<vmem>> -> memref<1x128xi32, #tpu.memory_space<vmem>>
        %dma_wait3A_149 = tpu.memref_squeeze %dma_wait3A_148 : memref<1x128xi32, #tpu.memory_space<vmem>> -> memref<128xi32, #tpu.memory_space<vmem>>
        %dma_wait3A_150 = arith.constant 0 : i32
        %dma_wait3A_151 = arith.constant 0 : i32
        %dma_wait3A_152 = tpu.memref_slice %arg7[%dma_wait3A_150, %dma_wait3A_151] : memref<10240x64xbf16, #tpu.memory_space<vmem_shared>> -> memref<10240x64xbf16, #tpu.memory_space<vmem_shared>>
        %dma_wait3A_153 = tpu.memref_slice %arg12[%dma_wait3A_142] : memref<2x!tpu.dma_semaphore, #tpu.memory_space<semaphore_mem>> -> memref<1x!tpu.dma_semaphore, #tpu.memory_space<semaphore_mem>>
        %dma_wait3A_154 = tpu.memref_squeeze %dma_wait3A_153 : memref<1x!tpu.dma_semaphore, #tpu.memory_space<semaphore_mem>> -> memref<!tpu.dma_semaphore, #tpu.memory_space<semaphore_mem>>
        tpu.wait_indirect_dma semaphore(%dma_wait3A_154 : memref<!tpu.dma_semaphore, #tpu.memory_space<semaphore_mem>>) src(%dma_wait3A_146 : memref<128x64xbf16, #tpu.memory_space<vmem>>) dst(%dma_wait3A_152 : memref<10240x64xbf16, #tpu.memory_space<vmem_shared>>)
      } else {
      }
      %dma_start3A_80 = arith.constant 1 : i32
      %dma_start3A_81 = arith.constant 1 : i32
      %dma_start3A_82 = arith.constant 0 : i32
      %dma_start3A_83 = arith.constant 0 : i32
      %dma_start3A_84 = tpu.memref_slice %arg10[%dma_start3A_80, %dma_start3A_82, %dma_start3A_83] : memref<2x128x64xbf16, #tpu.memory_space<vmem>> -> memref<1x128x64xbf16, #tpu.memory_space<vmem>>
      %dma_start3A_85 = tpu.memref_squeeze %dma_start3A_84 : memref<1x128x64xbf16, #tpu.memory_space<vmem>> -> memref<128x64xbf16, #tpu.memory_space<vmem>>
      %dma_start3A_86 = arith.constant 0 : i32
      %dma_start3A_87 = tpu.memref_slice %arg8[%add3A_49, %dma_start3A_86] : memref<80x128xi32, #tpu.memory_space<vmem>> -> memref<1x128xi32, #tpu.memory_space<vmem>>
      %dma_start3A_88 = tpu.memref_squeeze %dma_start3A_87 : memref<1x128xi32, #tpu.memory_space<vmem>> -> memref<128xi32, #tpu.memory_space<vmem>>
      %dma_start3A_89 = arith.constant 0 : i32
      %dma_start3A_90 = arith.constant 0 : i32
      %dma_start3A_91 = tpu.memref_slice %arg2[%dma_start3A_89, %dma_start3A_90] : memref<10240x64xbf16, #tpu.memory_space<hbm>> -> memref<10240x64xbf16, #tpu.memory_space<hbm>>
      %dma_start3A_92 = tpu.memref_slice %arg11[%dma_start3A_81] : memref<2x!tpu.dma_semaphore, #tpu.memory_space<semaphore_mem>> -> memref<1x!tpu.dma_semaphore, #tpu.memory_space<semaphore_mem>>
      %dma_start3A_93 = tpu.memref_squeeze %dma_start3A_92 : memref<1x!tpu.dma_semaphore, #tpu.memory_space<semaphore_mem>> -> memref<!tpu.dma_semaphore, #tpu.memory_space<semaphore_mem>>
      tpu.enqueue_indirect_dma source(%dma_start3A_91 : memref<10240x64xbf16, #tpu.memory_space<hbm>>) target(%dma_start3A_85 : memref<128x64xbf16, #tpu.memory_space<vmem>>) offsets(%dma_start3A_88 : memref<128xi32, #tpu.memory_space<vmem>>) semaphore(%dma_start3A_93 : memref<!tpu.dma_semaphore, #tpu.memory_space<semaphore_mem>>)
      %dma_wait3A_94 = arith.constant 1 : i32
      %dma_wait3A_95 = arith.constant 1 : i32
      %dma_wait3A_96 = arith.constant 0 : i32
      %dma_wait3A_97 = arith.constant 0 : i32
      %dma_wait3A_98 = tpu.memref_slice %arg10[%dma_wait3A_94, %dma_wait3A_96, %dma_wait3A_97] : memref<2x128x64xbf16, #tpu.memory_space<vmem>> -> memref<1x128x64xbf16, #tpu.memory_space<vmem>>
      %dma_wait3A_99 = tpu.memref_squeeze %dma_wait3A_98 : memref<1x128x64xbf16, #tpu.memory_space<vmem>> -> memref<128x64xbf16, #tpu.memory_space<vmem>>
      %dma_wait3A_100 = arith.constant 0 : i32
      %dma_wait3A_101 = tpu.memref_slice %arg8[%add3A_49, %dma_wait3A_100] : memref<80x128xi32, #tpu.memory_space<vmem>> -> memref<1x128xi32, #tpu.memory_space<vmem>>
      %dma_wait3A_102 = tpu.memref_squeeze %dma_wait3A_101 : memref<1x128xi32, #tpu.memory_space<vmem>> -> memref<128xi32, #tpu.memory_space<vmem>>
      %dma_wait3A_103 = arith.constant 0 : i32
      %dma_wait3A_104 = arith.constant 0 : i32
      %dma_wait3A_105 = tpu.memref_slice %arg2[%dma_wait3A_103, %dma_wait3A_104] : memref<10240x64xbf16, #tpu.memory_space<hbm>> -> memref<10240x64xbf16, #tpu.memory_space<hbm>>
      %dma_wait3A_106 = tpu.memref_slice %arg11[%dma_wait3A_95] : memref<2x!tpu.dma_semaphore, #tpu.memory_space<semaphore_mem>> -> memref<1x!tpu.dma_semaphore, #tpu.memory_space<semaphore_mem>>
      %dma_wait3A_107 = tpu.memref_squeeze %dma_wait3A_106 : memref<1x!tpu.dma_semaphore, #tpu.memory_space<semaphore_mem>> -> memref<!tpu.dma_semaphore, #tpu.memory_space<semaphore_mem>>
      tpu.wait_indirect_dma semaphore(%dma_wait3A_107 : memref<!tpu.dma_semaphore, #tpu.memory_space<semaphore_mem>>) src(%dma_wait3A_105 : memref<10240x64xbf16, #tpu.memory_space<hbm>>) dst(%dma_wait3A_99 : memref<128x64xbf16, #tpu.memory_space<vmem>>)
      %dma_start3A_108 = arith.constant 1 : i32
      %dma_start3A_109 = arith.constant 1 : i32
      %dma_start3A_110 = arith.constant 0 : i32
      %dma_start3A_111 = arith.constant 0 : i32
      %dma_start3A_112 = tpu.memref_slice %arg10[%dma_start3A_108, %dma_start3A_110, %dma_start3A_111] : memref<2x128x64xbf16, #tpu.memory_space<vmem>> -> memref<1x128x64xbf16, #tpu.memory_space<vmem>>
      %dma_start3A_113 = tpu.memref_squeeze %dma_start3A_112 : memref<1x128x64xbf16, #tpu.memory_space<vmem>> -> memref<128x64xbf16, #tpu.memory_space<vmem>>
      %dma_start3A_114 = arith.constant 0 : i32
      %dma_start3A_115 = tpu.memref_slice %arg9[%add3A_49, %dma_start3A_114] : memref<80x128xi32, #tpu.memory_space<vmem>> -> memref<1x128xi32, #tpu.memory_space<vmem>>
      %dma_start3A_116 = tpu.memref_squeeze %dma_start3A_115 : memref<1x128xi32, #tpu.memory_space<vmem>> -> memref<128xi32, #tpu.memory_space<vmem>>
      %dma_start3A_117 = arith.constant 0 : i32
      %dma_start3A_118 = arith.constant 0 : i32
      %dma_start3A_119 = tpu.memref_slice %arg7[%dma_start3A_117, %dma_start3A_118] : memref<10240x64xbf16, #tpu.memory_space<vmem_shared>> -> memref<10240x64xbf16, #tpu.memory_space<vmem_shared>>
      %dma_start3A_120 = tpu.memref_slice %arg12[%dma_start3A_109] : memref<2x!tpu.dma_semaphore, #tpu.memory_space<semaphore_mem>> -> memref<1x!tpu.dma_semaphore, #tpu.memory_space<semaphore_mem>>
      %dma_start3A_121 = tpu.memref_squeeze %dma_start3A_120 : memref<1x!tpu.dma_semaphore, #tpu.memory_space<semaphore_mem>> -> memref<!tpu.dma_semaphore, #tpu.memory_space<semaphore_mem>>
      tpu.enqueue_indirect_dma source(%dma_start3A_113 : memref<128x64xbf16, #tpu.memory_space<vmem>>) target(%dma_start3A_119 : memref<10240x64xbf16, #tpu.memory_space<vmem_shared>>) offsets(%dma_start3A_116 : memref<128xi32, #tpu.memory_space<vmem>>) semaphore(%dma_start3A_121 : memref<!tpu.dma_semaphore, #tpu.memory_space<semaphore_mem>>) {add = true}
      %dma_wait3A_122 = arith.constant 0 : i32
      %dma_wait3A_123 = arith.constant 0 : i32
      %dma_wait3A_124 = arith.constant 0 : i32
      %dma_wait3A_125 = arith.constant 0 : i32
      %dma_wait3A_126 = tpu.memref_slice %arg10[%dma_wait3A_122, %dma_wait3A_124, %dma_wait3A_125] : memref<2x128x64xbf16, #tpu.memory_space<vmem>> -> memref<1x128x64xbf16, #tpu.memory_space<vmem>>
      %dma_wait3A_127 = tpu.memref_squeeze %dma_wait3A_126 : memref<1x128x64xbf16, #tpu.memory_space<vmem>> -> memref<128x64xbf16, #tpu.memory_space<vmem>>
      %dma_wait3A_128 = arith.constant 0 : i32
      %dma_wait3A_129 = tpu.memref_slice %arg9[%mul3A_45, %dma_wait3A_128] : memref<80x128xi32, #tpu.memory_space<vmem>> -> memref<1x128xi32, #tpu.memory_space<vmem>>
      %dma_wait3A_130 = tpu.memref_squeeze %dma_wait3A_129 : memref<1x128xi32, #tpu.memory_space<vmem>> -> memref<128xi32, #tpu.memory_space<vmem>>
      %dma_wait3A_131 = arith.constant 0 : i32
      %dma_wait3A_132 = arith.constant 0 : i32
      %dma_wait3A_133 = tpu.memref_slice %arg7[%dma_wait3A_131, %dma_wait3A_132] : memref<10240x64xbf16, #tpu.memory_space<vmem_shared>> -> memref<10240x64xbf16, #tpu.memory_space<vmem_shared>>
      %dma_wait3A_134 = tpu.memref_slice %arg12[%dma_wait3A_123] : memref<2x!tpu.dma_semaphore, #tpu.memory_space<semaphore_mem>> -> memref<1x!tpu.dma_semaphore, #tpu.memory_space<semaphore_mem>>
      %dma_wait3A_135 = tpu.memref_squeeze %dma_wait3A_134 : memref<1x!tpu.dma_semaphore, #tpu.memory_space<semaphore_mem>> -> memref<!tpu.dma_semaphore, #tpu.memory_space<semaphore_mem>>
      tpu.wait_indirect_dma semaphore(%dma_wait3A_135 : memref<!tpu.dma_semaphore, #tpu.memory_space<semaphore_mem>>) src(%dma_wait3A_127 : memref<128x64xbf16, #tpu.memory_space<vmem>>) dst(%dma_wait3A_133 : memref<10240x64xbf16, #tpu.memory_space<vmem_shared>>)
      %lt3A = arith.constant 39 : i32
      %lt3A_136 = arith.cmpi slt, %scan3A_43, %lt3A : i32
      %convert_element_type3A_137 = arith.extui %lt3A_136 : i1 to i32
      %cond3A_138 = arith.constant 0 : i32
      %cond3A_139 = arith.cmpi ne, %convert_element_type3A_137, %cond3A_138 : i32
      scf.if %cond3A_139 {
        %add3A_140 = arith.constant 2 : i32
        %add3A_141 = arith.addi %mul3A_45, %add3A_140 : i32
        %dma_start3A_142 = arith.constant 0 : i32
        %dma_start3A_143 = arith.constant 0 : i32
        %dma_start3A_144 = arith.constant 0 : i32
        %dma_start3A_145 = arith.constant 0 : i32
        %dma_start3A_146 = tpu.memref_slice %arg10[%dma_start3A_142, %dma_start3A_144, %dma_start3A_145] : memref<2x128x64xbf16, #tpu.memory_space<vmem>> -> memref<1x128x64xbf16, #tpu.memory_space<vmem>>
        %dma_start3A_147 = tpu.memref_squeeze %dma_start3A_146 : memref<1x128x64xbf16, #tpu.memory_space<vmem>> -> memref<128x64xbf16, #tpu.memory_space<vmem>>
        %dma_start3A_148 = arith.constant 0 : i32
        %dma_start3A_149 = tpu.memref_slice %arg8[%add3A_141, %dma_start3A_148] : memref<80x128xi32, #tpu.memory_space<vmem>> -> memref<1x128xi32, #tpu.memory_space<vmem>>
        %dma_start3A_150 = tpu.memref_squeeze %dma_start3A_149 : memref<1x128xi32, #tpu.memory_space<vmem>> -> memref<128xi32, #tpu.memory_space<vmem>>
        %dma_start3A_151 = arith.constant 0 : i32
        %dma_start3A_152 = arith.constant 0 : i32
        %dma_start3A_153 = tpu.memref_slice %arg2[%dma_start3A_151, %dma_start3A_152] : memref<10240x64xbf16, #tpu.memory_space<hbm>> -> memref<10240x64xbf16, #tpu.memory_space<hbm>>
        %dma_start3A_154 = tpu.memref_slice %arg11[%dma_start3A_143] : memref<2x!tpu.dma_semaphore, #tpu.memory_space<semaphore_mem>> -> memref<1x!tpu.dma_semaphore, #tpu.memory_space<semaphore_mem>>
        %dma_start3A_155 = tpu.memref_squeeze %dma_start3A_154 : memref<1x!tpu.dma_semaphore, #tpu.memory_space<semaphore_mem>> -> memref<!tpu.dma_semaphore, #tpu.memory_space<semaphore_mem>>
        tpu.enqueue_indirect_dma source(%dma_start3A_153 : memref<10240x64xbf16, #tpu.memory_space<hbm>>) target(%dma_start3A_147 : memref<128x64xbf16, #tpu.memory_space<vmem>>) offsets(%dma_start3A_150 : memref<128xi32, #tpu.memory_space<vmem>>) semaphore(%dma_start3A_155 : memref<!tpu.dma_semaphore, #tpu.memory_space<semaphore_mem>>)
      } else {
      }
    }
    %scan3A_23 = arith.constant 40 : i32
    %dma_wait3A = arith.constant 1 : i32
    %dma_wait3A_24 = arith.constant 79 : i32
    %dma_wait3A_25 = arith.constant 1 : i32
    %dma_wait3A_26 = arith.constant 0 : i32
    %dma_wait3A_27 = arith.constant 0 : i32
    %dma_wait3A_28 = tpu.memref_slice %arg10[%dma_wait3A, %dma_wait3A_26, %dma_wait3A_27] : memref<2x128x64xbf16, #tpu.memory_space<vmem>> -> memref<1x128x64xbf16, #tpu.memory_space<vmem>>
    %dma_wait3A_29 = tpu.memref_squeeze %dma_wait3A_28 : memref<1x128x64xbf16, #tpu.memory_space<vmem>> -> memref<128x64xbf16, #tpu.memory_space<vmem>>
    %dma_wait3A_30 = arith.constant 0 : i32
    %dma_wait3A_31 = tpu.memref_slice %arg9[%dma_wait3A_24, %dma_wait3A_30] : memref<80x128xi32, #tpu.memory_space<vmem>> -> memref<1x128xi32, #tpu.memory_space<vmem>>
    %dma_wait3A_32 = tpu.memref_squeeze %dma_wait3A_31 : memref<1x128xi32, #tpu.memory_space<vmem>> -> memref<128xi32, #tpu.memory_space<vmem>>
    %dma_wait3A_33 = arith.constant 0 : i32
    %dma_wait3A_34 = arith.constant 0 : i32
    %dma_wait3A_35 = tpu.memref_slice %arg7[%dma_wait3A_33, %dma_wait3A_34] : memref<10240x64xbf16, #tpu.memory_space<vmem_shared>> -> memref<10240x64xbf16, #tpu.memory_space<vmem_shared>>
    %dma_wait3A_36 = tpu.memref_slice %arg12[%dma_wait3A_25] : memref<2x!tpu.dma_semaphore, #tpu.memory_space<semaphore_mem>> -> memref<1x!tpu.dma_semaphore, #tpu.memory_space<semaphore_mem>>
    %dma_wait3A_37 = tpu.memref_squeeze %dma_wait3A_36 : memref<1x!tpu.dma_semaphore, #tpu.memory_space<semaphore_mem>> -> memref<!tpu.dma_semaphore, #tpu.memory_space<semaphore_mem>>
    tpu.wait_indirect_dma semaphore(%dma_wait3A_37 : memref<!tpu.dma_semaphore, #tpu.memory_space<semaphore_mem>>) src(%dma_wait3A_29 : memref<128x64xbf16, #tpu.memory_space<vmem>>) dst(%dma_wait3A_35 : memref<10240x64xbf16, #tpu.memory_space<vmem_shared>>)
    %barrier3A_38 = arith.constant 0 : index
    tpu.barrier barrier_id(%barrier3A_38)
    %mul3A_39 = arith.constant 640 : i32
    %mul3A_40 = arith.muli %arg1, %mul3A_39 : i32
    %mul3A_41 = arith.constant 640 : i32
    %mul3A_42 = arith.muli %arg1, %mul3A_41 : i32
    "tpu.region"() ({
      %run_scoped3A = tpu.sem_alloc : memref<!tpu.dma_semaphore, #tpu.memory_space<semaphore_mem>>
      %dma_start3A_43 = arith.constant 0 : i32
      %dma_start3A_44 = arith.constant 0 : i32
      %dma_start3A_45 = tpu.memref_slice %arg6[%arg0, %dma_start3A_43, %dma_start3A_44] : memref<2x10240x64xbf16, #tpu.memory_space<hbm>> -> memref<1x10240x64xbf16, #tpu.memory_space<hbm>>
      %dma_start3A_46 = tpu.memref_squeeze %dma_start3A_45 : memref<1x10240x64xbf16, #tpu.memory_space<hbm>> -> memref<10240x64xbf16, #tpu.memory_space<hbm>>
      %dma_start3A_47 = arith.constant 0 : i32
      %dma_start3A_48 = tpu.memref_slice %dma_start3A_46[%mul3A_42, %dma_start3A_47] : memref<10240x64xbf16, #tpu.memory_space<hbm>> -> memref<640x64xbf16, #tpu.memory_space<hbm>>
      %dma_start3A_49 = arith.constant 0 : i32
      %dma_start3A_50 = tpu.memref_slice %arg7[%mul3A_40, %dma_start3A_49] : memref<10240x64xbf16, #tpu.memory_space<vmem_shared>> -> memref<640x64xbf16, #tpu.memory_space<vmem_shared>>
      tpu.enqueue_dma source(%dma_start3A_50 : memref<640x64xbf16, #tpu.memory_space<vmem_shared>>) target(%dma_start3A_48 : memref<640x64xbf16, #tpu.memory_space<hbm>>) target_semaphore(%run_scoped3A : memref<!tpu.dma_semaphore, #tpu.memory_space<semaphore_mem>>)
      %dma_wait3A_51 = arith.constant 0 : i32
      %dma_wait3A_52 = arith.constant 0 : i32
      %dma_wait3A_53 = tpu.memref_slice %arg6[%arg0, %dma_wait3A_51, %dma_wait3A_52] : memref<2x10240x64xbf16, #tpu.memory_space<hbm>> -> memref<1x10240x64xbf16, #tpu.memory_space<hbm>>
      %dma_wait3A_54 = tpu.memref_squeeze %dma_wait3A_53 : memref<1x10240x64xbf16, #tpu.memory_space<hbm>> -> memref<10240x64xbf16, #tpu.memory_space<hbm>>
      %dma_wait3A_55 = arith.constant 0 : i32
      %dma_wait3A_56 = tpu.memref_slice %dma_wait3A_54[%mul3A_42, %dma_wait3A_55] : memref<10240x64xbf16, #tpu.memory_space<hbm>> -> memref<640x64xbf16, #tpu.memory_space<hbm>>
      %dma_wait3A_57 = arith.constant 0 : i32
      %dma_wait3A_58 = tpu.memref_slice %arg7[%mul3A_40, %dma_wait3A_57] : memref<10240x64xbf16, #tpu.memory_space<vmem_shared>> -> memref<640x64xbf16, #tpu.memory_space<vmem_shared>>
      tpu.wait_dma2 semaphore(%run_scoped3A : memref<!tpu.dma_semaphore, #tpu.memory_space<semaphore_mem>>) src(%dma_wait3A_58 : memref<640x64xbf16, #tpu.memory_space<vmem_shared>>) dst(%dma_wait3A_56 : memref<640x64xbf16, #tpu.memory_space<hbm>>)
      tpu.yield
    }) : () -> ()
    return
  }
}

#map = affine_map<(d0, d1) -> (0, 0)>
#map1 = affine_map<(d0, d1) -> (0, 0, 0)>
module attributes {stable_mosaic.version = 14 : i64} {
  func.func @_agg(%arg0: i32, %arg1: i32, %arg2: memref<10240x64xbf16, #tpu.memory_space<hbm>>, %arg3: memref<32x80x128xi32, #tpu.memory_space<hbm>>, %arg4: memref<32x80x128xi32, #tpu.memory_space<hbm>>, %arg5: memref<10240x64xbf16, #tpu.memory_space<hbm>>, %arg6: memref<2x10240x64xbf16, #tpu.memory_space<hbm>>, %arg7: memref<10240x64xbf16, #tpu.memory_space<vmem_shared>>, %arg8: memref<80x128xi32, #tpu.memory_space<vmem>>, %arg9: memref<80x128xi32, #tpu.memory_space<vmem>>, %arg10: memref<2x128x64xbf16, #tpu.memory_space<vmem>>, %arg11: memref<2x!tpu.dma_semaphore, #tpu.memory_space<semaphore_mem>>, %arg12: memref<2x!tpu.dma_semaphore, #tpu.memory_space<semaphore_mem>>) attributes {dimension_semantics = [#tpu.dimension_semantics<core_parallel>, #tpu.dimension_semantics<subcore_parallel>], iteration_bounds = array<i64: 2, 16>, scalar_prefetch = 0 : i64, scratch_operands = 6 : i64, tpu.core_type = #tpu.core_type<sc_vector_subcore>, window_params = [{transform_indices = #map}, {transform_indices = #map1}, {transform_indices = #map1}, {transform_indices = #map}, {transform_indices = #map1}]} {
    %mul3A = arith.constant 2 : i32
    %mul3A_0 = arith.muli %arg1, %mul3A : i32
    %add3A = arith.addi %mul3A_0, %arg0 : i32
    %mul3A_1 = arith.constant 640 : i32
    %mul3A_2 = arith.muli %arg1, %mul3A_1 : i32
    %mul3A_3 = arith.constant 640 : i32
    %mul3A_4 = arith.muli %arg1, %mul3A_3 : i32
    "tpu.region"() ({
      %run_scoped3A = tpu.sem_alloc : memref<!tpu.dma_semaphore, #tpu.memory_space<semaphore_mem>>
      %dma_start3A_43 = arith.constant 0 : i32
      %dma_start3A_44 = tpu.memref_slice %arg7[%mul3A_4, %dma_start3A_43] : memref<10240x64xbf16, #tpu.memory_space<vmem_shared>> -> memref<640x64xbf16, #tpu.memory_space<vmem_shared>>
      %dma_start3A_45 = arith.constant 0 : i32
      %dma_start3A_46 = tpu.memref_slice %arg5[%mul3A_2, %dma_start3A_45] : memref<10240x64xbf16, #tpu.memory_space<hbm>> -> memref<640x64xbf16, #tpu.memory_space<hbm>>
      tpu.enqueue_dma source(%dma_start3A_46 : memref<640x64xbf16, #tpu.memory_space<hbm>>) target(%dma_start3A_44 : memref<640x64xbf16, #tpu.memory_space<vmem_shared>>) target_semaphore(%run_scoped3A : memref<!tpu.dma_semaphore, #tpu.memory_space<semaphore_mem>>)
      %dma_wait3A_47 = arith.constant 0 : i32
      %dma_wait3A_48 = tpu.memref_slice %arg7[%mul3A_4, %dma_wait3A_47] : memref<10240x64xbf16, #tpu.memory_space<vmem_shared>> -> memref<640x64xbf16, #tpu.memory_space<vmem_shared>>
      %dma_wait3A_49 = arith.constant 0 : i32
      %dma_wait3A_50 = tpu.memref_slice %arg5[%mul3A_2, %dma_wait3A_49] : memref<10240x64xbf16, #tpu.memory_space<hbm>> -> memref<640x64xbf16, #tpu.memory_space<hbm>>
      tpu.wait_dma2 semaphore(%run_scoped3A : memref<!tpu.dma_semaphore, #tpu.memory_space<semaphore_mem>>) src(%dma_wait3A_50 : memref<640x64xbf16, #tpu.memory_space<hbm>>) dst(%dma_wait3A_48 : memref<640x64xbf16, #tpu.memory_space<vmem_shared>>)
      tpu.yield
    }) : () -> ()
    "tpu.region"() ({
      %run_scoped3A = tpu.sem_alloc : memref<!tpu.dma_semaphore, #tpu.memory_space<semaphore_mem>>
      %dma_start3A_43 = arith.constant 0 : i32
      %dma_start3A_44 = arith.constant 0 : i32
      %dma_start3A_45 = tpu.memref_slice %arg3[%add3A, %dma_start3A_43, %dma_start3A_44] : memref<32x80x128xi32, #tpu.memory_space<hbm>> -> memref<1x80x128xi32, #tpu.memory_space<hbm>>
      %dma_start3A_46 = tpu.memref_squeeze %dma_start3A_45 : memref<1x80x128xi32, #tpu.memory_space<hbm>> -> memref<80x128xi32, #tpu.memory_space<hbm>>
      %dma_start3A_47 = arith.constant 0 : i32
      %dma_start3A_48 = arith.constant 0 : i32
      %dma_start3A_49 = tpu.memref_slice %arg3[%add3A, %dma_start3A_47, %dma_start3A_48] : memref<32x80x128xi32, #tpu.memory_space<hbm>> -> memref<1x80x128xi32, #tpu.memory_space<hbm>>
      %dma_start3A_50 = tpu.memref_squeeze %dma_start3A_49 : memref<1x80x128xi32, #tpu.memory_space<hbm>> -> memref<80x128xi32, #tpu.memory_space<hbm>>
      tpu.enqueue_dma source(%dma_start3A_50 : memref<80x128xi32, #tpu.memory_space<hbm>>) target(%arg8 : memref<80x128xi32, #tpu.memory_space<vmem>>) target_semaphore(%run_scoped3A : memref<!tpu.dma_semaphore, #tpu.memory_space<semaphore_mem>>)
      %dma_wait3A_51 = arith.constant 0 : i32
      %dma_wait3A_52 = arith.constant 0 : i32
      %dma_wait3A_53 = tpu.memref_slice %arg3[%add3A, %dma_wait3A_51, %dma_wait3A_52] : memref<32x80x128xi32, #tpu.memory_space<hbm>> -> memref<1x80x128xi32, #tpu.memory_space<hbm>>
      %dma_wait3A_54 = tpu.memref_squeeze %dma_wait3A_53 : memref<1x80x128xi32, #tpu.memory_space<hbm>> -> memref<80x128xi32, #tpu.memory_space<hbm>>
      %dma_wait3A_55 = arith.constant 0 : i32
      %dma_wait3A_56 = arith.constant 0 : i32
      %dma_wait3A_57 = tpu.memref_slice %arg3[%add3A, %dma_wait3A_55, %dma_wait3A_56] : memref<32x80x128xi32, #tpu.memory_space<hbm>> -> memref<1x80x128xi32, #tpu.memory_space<hbm>>
      %dma_wait3A_58 = tpu.memref_squeeze %dma_wait3A_57 : memref<1x80x128xi32, #tpu.memory_space<hbm>> -> memref<80x128xi32, #tpu.memory_space<hbm>>
      tpu.wait_dma2 semaphore(%run_scoped3A : memref<!tpu.dma_semaphore, #tpu.memory_space<semaphore_mem>>) src(%dma_wait3A_58 : memref<80x128xi32, #tpu.memory_space<hbm>>) dst(%arg8 : memref<80x128xi32, #tpu.memory_space<vmem>>)
      tpu.yield
    }) : () -> ()
    "tpu.region"() ({
      %run_scoped3A = tpu.sem_alloc : memref<!tpu.dma_semaphore, #tpu.memory_space<semaphore_mem>>
      %dma_start3A_43 = arith.constant 0 : i32
      %dma_start3A_44 = arith.constant 0 : i32
      %dma_start3A_45 = tpu.memref_slice %arg4[%add3A, %dma_start3A_43, %dma_start3A_44] : memref<32x80x128xi32, #tpu.memory_space<hbm>> -> memref<1x80x128xi32, #tpu.memory_space<hbm>>
      %dma_start3A_46 = tpu.memref_squeeze %dma_start3A_45 : memref<1x80x128xi32, #tpu.memory_space<hbm>> -> memref<80x128xi32, #tpu.memory_space<hbm>>
      %dma_start3A_47 = arith.constant 0 : i32
      %dma_start3A_48 = arith.constant 0 : i32
      %dma_start3A_49 = tpu.memref_slice %arg4[%add3A, %dma_start3A_47, %dma_start3A_48] : memref<32x80x128xi32, #tpu.memory_space<hbm>> -> memref<1x80x128xi32, #tpu.memory_space<hbm>>
      %dma_start3A_50 = tpu.memref_squeeze %dma_start3A_49 : memref<1x80x128xi32, #tpu.memory_space<hbm>> -> memref<80x128xi32, #tpu.memory_space<hbm>>
      tpu.enqueue_dma source(%dma_start3A_50 : memref<80x128xi32, #tpu.memory_space<hbm>>) target(%arg9 : memref<80x128xi32, #tpu.memory_space<vmem>>) target_semaphore(%run_scoped3A : memref<!tpu.dma_semaphore, #tpu.memory_space<semaphore_mem>>)
      %dma_wait3A_51 = arith.constant 0 : i32
      %dma_wait3A_52 = arith.constant 0 : i32
      %dma_wait3A_53 = tpu.memref_slice %arg4[%add3A, %dma_wait3A_51, %dma_wait3A_52] : memref<32x80x128xi32, #tpu.memory_space<hbm>> -> memref<1x80x128xi32, #tpu.memory_space<hbm>>
      %dma_wait3A_54 = tpu.memref_squeeze %dma_wait3A_53 : memref<1x80x128xi32, #tpu.memory_space<hbm>> -> memref<80x128xi32, #tpu.memory_space<hbm>>
      %dma_wait3A_55 = arith.constant 0 : i32
      %dma_wait3A_56 = arith.constant 0 : i32
      %dma_wait3A_57 = tpu.memref_slice %arg4[%add3A, %dma_wait3A_55, %dma_wait3A_56] : memref<32x80x128xi32, #tpu.memory_space<hbm>> -> memref<1x80x128xi32, #tpu.memory_space<hbm>>
      %dma_wait3A_58 = tpu.memref_squeeze %dma_wait3A_57 : memref<1x80x128xi32, #tpu.memory_space<hbm>> -> memref<80x128xi32, #tpu.memory_space<hbm>>
      tpu.wait_dma2 semaphore(%run_scoped3A : memref<!tpu.dma_semaphore, #tpu.memory_space<semaphore_mem>>) src(%dma_wait3A_58 : memref<80x128xi32, #tpu.memory_space<hbm>>) dst(%arg9 : memref<80x128xi32, #tpu.memory_space<vmem>>)
      tpu.yield
    }) : () -> ()
    %barrier3A = arith.constant 0 : index
    tpu.barrier barrier_id(%barrier3A)
    %dma_start3A = arith.constant 0 : i32
    %dma_start3A_5 = arith.constant 0 : i32
    %dma_start3A_6 = arith.constant 0 : i32
    %dma_start3A_7 = arith.constant 0 : i32
    %dma_start3A_8 = arith.constant 0 : i32
    %dma_start3A_9 = tpu.memref_slice %arg10[%dma_start3A_5, %dma_start3A_7, %dma_start3A_8] : memref<2x128x64xbf16, #tpu.memory_space<vmem>> -> memref<1x128x64xbf16, #tpu.memory_space<vmem>>
    %dma_start3A_10 = tpu.memref_squeeze %dma_start3A_9 : memref<1x128x64xbf16, #tpu.memory_space<vmem>> -> memref<128x64xbf16, #tpu.memory_space<vmem>>
    %dma_start3A_11 = arith.constant 0 : i32
    %dma_start3A_12 = tpu.memref_slice %arg8[%dma_start3A, %dma_start3A_11] : memref<80x128xi32, #tpu.memory_space<vmem>> -> memref<1x128xi32, #tpu.memory_space<vmem>>
    %dma_start3A_13 = tpu.memref_squeeze %dma_start3A_12 : memref<1x128xi32, #tpu.memory_space<vmem>> -> memref<128xi32, #tpu.memory_space<vmem>>
    %dma_start3A_14 = arith.constant 0 : i32
    %dma_start3A_15 = arith.constant 0 : i32
    %dma_start3A_16 = tpu.memref_slice %arg2[%dma_start3A_14, %dma_start3A_15] : memref<10240x64xbf16, #tpu.memory_space<hbm>> -> memref<10240x64xbf16, #tpu.memory_space<hbm>>
    %dma_start3A_17 = tpu.memref_slice %arg11[%dma_start3A_6] : memref<2x!tpu.dma_semaphore, #tpu.memory_space<semaphore_mem>> -> memref<1x!tpu.dma_semaphore, #tpu.memory_space<semaphore_mem>>
    %dma_start3A_18 = tpu.memref_squeeze %dma_start3A_17 : memref<1x!tpu.dma_semaphore, #tpu.memory_space<semaphore_mem>> -> memref<!tpu.dma_semaphore, #tpu.memory_space<semaphore_mem>>
    tpu.enqueue_indirect_dma source(%dma_start3A_16 : memref<10240x64xbf16, #tpu.memory_space<hbm>>) target(%dma_start3A_10 : memref<128x64xbf16, #tpu.memory_space<vmem>>) offsets(%dma_start3A_13 : memref<128xi32, #tpu.memory_space<vmem>>) semaphore(%dma_start3A_18 : memref<!tpu.dma_semaphore, #tpu.memory_space<semaphore_mem>>)
    %scan3A = arith.constant 0 : i32
    %scan3A_19 = arith.constant 0 : i32
    %scan3A_20 = arith.constant 40 : i32
    %scan3A_21 = arith.addi %scan3A_19, %scan3A_20 : i32
    %scan3A_22 = arith.constant 1 : i32
    scf.for %scan3A_43 = %scan3A_19 to %scan3A_21 step %scan3A_22  : i32 {
      %mul3A_44 = arith.constant 2 : i32
      %mul3A_45 = arith.muli %mul3A_44, %scan3A_43 : i32
      %mul3A_46 = arith.constant 2 : i32
      %mul3A_47 = arith.muli %mul3A_46, %scan3A_43 : i32
      %add3A_48 = arith.constant 1 : i32
      %add3A_49 = arith.addi %mul3A_47, %add3A_48 : i32
      %dma_wait3A_50 = arith.constant 0 : i32
      %dma_wait3A_51 = arith.constant 0 : i32
      %dma_wait3A_52 = arith.constant 0 : i32
      %dma_wait3A_53 = arith.constant 0 : i32
      %dma_wait3A_54 = tpu.memref_slice %arg10[%dma_wait3A_50, %dma_wait3A_52, %dma_wait3A_53] : memref<2x128x64xbf16, #tpu.memory_space<vmem>> -> memref<1x128x64xbf16, #tpu.memory_space<vmem>>
      %dma_wait3A_55 = tpu.memref_squeeze %dma_wait3A_54 : memref<1x128x64xbf16, #tpu.memory_space<vmem>> -> memref<128x64xbf16, #tpu.memory_space<vmem>>
      %dma_wait3A_56 = arith.constant 0 : i32
      %dma_wait3A_57 = tpu.memref_slice %arg8[%mul3A_45, %dma_wait3A_56] : memref<80x128xi32, #tpu.memory_space<vmem>> -> memref<1x128xi32, #tpu.memory_space<vmem>>
      %dma_wait3A_58 = tpu.memref_squeeze %dma_wait3A_57 : memref<1x128xi32, #tpu.memory_space<vmem>> -> memref<128xi32, #tpu.memory_space<vmem>>
      %dma_wait3A_59 = arith.constant 0 : i32
      %dma_wait3A_60 = arith.constant 0 : i32
      %dma_wait3A_61 = tpu.memref_slice %arg2[%dma_wait3A_59, %dma_wait3A_60] : memref<10240x64xbf16, #tpu.memory_space<hbm>> -> memref<10240x64xbf16, #tpu.memory_space<hbm>>
      %dma_wait3A_62 = tpu.memref_slice %arg11[%dma_wait3A_51] : memref<2x!tpu.dma_semaphore, #tpu.memory_space<semaphore_mem>> -> memref<1x!tpu.dma_semaphore, #tpu.memory_space<semaphore_mem>>
      %dma_wait3A_63 = tpu.memref_squeeze %dma_wait3A_62 : memref<1x!tpu.dma_semaphore, #tpu.memory_space<semaphore_mem>> -> memref<!tpu.dma_semaphore, #tpu.memory_space<semaphore_mem>>
      tpu.wait_indirect_dma semaphore(%dma_wait3A_63 : memref<!tpu.dma_semaphore, #tpu.memory_space<semaphore_mem>>) src(%dma_wait3A_61 : memref<10240x64xbf16, #tpu.memory_space<hbm>>) dst(%dma_wait3A_55 : memref<128x64xbf16, #tpu.memory_space<vmem>>)
      %dma_start3A_64 = arith.constant 0 : i32
      %dma_start3A_65 = arith.constant 0 : i32
      %dma_start3A_66 = arith.constant 0 : i32
      %dma_start3A_67 = arith.constant 0 : i32
      %dma_start3A_68 = tpu.memref_slice %arg10[%dma_start3A_64, %dma_start3A_66, %dma_start3A_67] : memref<2x128x64xbf16, #tpu.memory_space<vmem>> -> memref<1x128x64xbf16, #tpu.memory_space<vmem>>
      %dma_start3A_69 = tpu.memref_squeeze %dma_start3A_68 : memref<1x128x64xbf16, #tpu.memory_space<vmem>> -> memref<128x64xbf16, #tpu.memory_space<vmem>>
      %dma_start3A_70 = arith.constant 0 : i32
      %dma_start3A_71 = tpu.memref_slice %arg9[%mul3A_45, %dma_start3A_70] : memref<80x128xi32, #tpu.memory_space<vmem>> -> memref<1x128xi32, #tpu.memory_space<vmem>>
      %dma_start3A_72 = tpu.memref_squeeze %dma_start3A_71 : memref<1x128xi32, #tpu.memory_space<vmem>> -> memref<128xi32, #tpu.memory_space<vmem>>
      %dma_start3A_73 = arith.constant 0 : i32
      %dma_start3A_74 = arith.constant 0 : i32
      %dma_start3A_75 = tpu.memref_slice %arg7[%dma_start3A_73, %dma_start3A_74] : memref<10240x64xbf16, #tpu.memory_space<vmem_shared>> -> memref<10240x64xbf16, #tpu.memory_space<vmem_shared>>
      %dma_start3A_76 = tpu.memref_slice %arg12[%dma_start3A_65] : memref<2x!tpu.dma_semaphore, #tpu.memory_space<semaphore_mem>> -> memref<1x!tpu.dma_semaphore, #tpu.memory_space<semaphore_mem>>
      %dma_start3A_77 = tpu.memref_squeeze %dma_start3A_76 : memref<1x!tpu.dma_semaphore, #tpu.memory_space<semaphore_mem>> -> memref<!tpu.dma_semaphore, #tpu.memory_space<semaphore_mem>>
      tpu.enqueue_indirect_dma source(%dma_start3A_69 : memref<128x64xbf16, #tpu.memory_space<vmem>>) target(%dma_start3A_75 : memref<10240x64xbf16, #tpu.memory_space<vmem_shared>>) offsets(%dma_start3A_72 : memref<128xi32, #tpu.memory_space<vmem>>) semaphore(%dma_start3A_77 : memref<!tpu.dma_semaphore, #tpu.memory_space<semaphore_mem>>) {add = true}
      %gt3A = arith.constant 0 : i32
      %gt3A_78 = arith.cmpi sgt, %scan3A_43, %gt3A : i32
      %convert_element_type3A = arith.extui %gt3A_78 : i1 to i32
      %cond3A = arith.constant 0 : i32
      %cond3A_79 = arith.cmpi ne, %convert_element_type3A, %cond3A : i32
      scf.if %cond3A_79 {
        %sub3A = arith.constant 2 : i32
        %sub3A_140 = arith.subi %add3A_49, %sub3A : i32
        %dma_wait3A_141 = arith.constant 1 : i32
        %dma_wait3A_142 = arith.constant 1 : i32
        %dma_wait3A_143 = arith.constant 0 : i32
        %dma_wait3A_144 = arith.constant 0 : i32
        %dma_wait3A_145 = tpu.memref_slice %arg10[%dma_wait3A_141, %dma_wait3A_143, %dma_wait3A_144] : memref<2x128x64xbf16, #tpu.memory_space<vmem>> -> memref<1x128x64xbf16, #tpu.memory_space<vmem>>
        %dma_wait3A_146 = tpu.memref_squeeze %dma_wait3A_145 : memref<1x128x64xbf16, #tpu.memory_space<vmem>> -> memref<128x64xbf16, #tpu.memory_space<vmem>>
        %dma_wait3A_147 = arith.constant 0 : i32
        %dma_wait3A_148 = tpu.memref_slice %arg9[%sub3A_140, %dma_wait3A_147] : memref<80x128xi32, #tpu.memory_space<vmem>> -> memref<1x128xi32, #tpu.memory_space<vmem>>
        %dma_wait3A_149 = tpu.memref_squeeze %dma_wait3A_148 : memref<1x128xi32, #tpu.memory_space<vmem>> -> memref<128xi32, #tpu.memory_space<vmem>>
        %dma_wait3A_150 = arith.constant 0 : i32
        %dma_wait3A_151 = arith.constant 0 : i32
        %dma_wait3A_152 = tpu.memref_slice %arg7[%dma_wait3A_150, %dma_wait3A_151] : memref<10240x64xbf16, #tpu.memory_space<vmem_shared>> -> memref<10240x64xbf16, #tpu.memory_space<vmem_shared>>
        %dma_wait3A_153 = tpu.memref_slice %arg12[%dma_wait3A_142] : memref<2x!tpu.dma_semaphore, #tpu.memory_space<semaphore_mem>> -> memref<1x!tpu.dma_semaphore, #tpu.memory_space<semaphore_mem>>
        %dma_wait3A_154 = tpu.memref_squeeze %dma_wait3A_153 : memref<1x!tpu.dma_semaphore, #tpu.memory_space<semaphore_mem>> -> memref<!tpu.dma_semaphore, #tpu.memory_space<semaphore_mem>>
        tpu.wait_indirect_dma semaphore(%dma_wait3A_154 : memref<!tpu.dma_semaphore, #tpu.memory_space<semaphore_mem>>) src(%dma_wait3A_146 : memref<128x64xbf16, #tpu.memory_space<vmem>>) dst(%dma_wait3A_152 : memref<10240x64xbf16, #tpu.memory_space<vmem_shared>>)
      } else {
      }
      %dma_start3A_80 = arith.constant 1 : i32
      %dma_start3A_81 = arith.constant 1 : i32
      %dma_start3A_82 = arith.constant 0 : i32
      %dma_start3A_83 = arith.constant 0 : i32
      %dma_start3A_84 = tpu.memref_slice %arg10[%dma_start3A_80, %dma_start3A_82, %dma_start3A_83] : memref<2x128x64xbf16, #tpu.memory_space<vmem>> -> memref<1x128x64xbf16, #tpu.memory_space<vmem>>
      %dma_start3A_85 = tpu.memref_squeeze %dma_start3A_84 : memref<1x128x64xbf16, #tpu.memory_space<vmem>> -> memref<128x64xbf16, #tpu.memory_space<vmem>>
      %dma_start3A_86 = arith.constant 0 : i32
      %dma_start3A_87 = tpu.memref_slice %arg8[%add3A_49, %dma_start3A_86] : memref<80x128xi32, #tpu.memory_space<vmem>> -> memref<1x128xi32, #tpu.memory_space<vmem>>
      %dma_start3A_88 = tpu.memref_squeeze %dma_start3A_87 : memref<1x128xi32, #tpu.memory_space<vmem>> -> memref<128xi32, #tpu.memory_space<vmem>>
      %dma_start3A_89 = arith.constant 0 : i32
      %dma_start3A_90 = arith.constant 0 : i32
      %dma_start3A_91 = tpu.memref_slice %arg2[%dma_start3A_89, %dma_start3A_90] : memref<10240x64xbf16, #tpu.memory_space<hbm>> -> memref<10240x64xbf16, #tpu.memory_space<hbm>>
      %dma_start3A_92 = tpu.memref_slice %arg11[%dma_start3A_81] : memref<2x!tpu.dma_semaphore, #tpu.memory_space<semaphore_mem>> -> memref<1x!tpu.dma_semaphore, #tpu.memory_space<semaphore_mem>>
      %dma_start3A_93 = tpu.memref_squeeze %dma_start3A_92 : memref<1x!tpu.dma_semaphore, #tpu.memory_space<semaphore_mem>> -> memref<!tpu.dma_semaphore, #tpu.memory_space<semaphore_mem>>
      tpu.enqueue_indirect_dma source(%dma_start3A_91 : memref<10240x64xbf16, #tpu.memory_space<hbm>>) target(%dma_start3A_85 : memref<128x64xbf16, #tpu.memory_space<vmem>>) offsets(%dma_start3A_88 : memref<128xi32, #tpu.memory_space<vmem>>) semaphore(%dma_start3A_93 : memref<!tpu.dma_semaphore, #tpu.memory_space<semaphore_mem>>)
      %dma_wait3A_94 = arith.constant 1 : i32
      %dma_wait3A_95 = arith.constant 1 : i32
      %dma_wait3A_96 = arith.constant 0 : i32
      %dma_wait3A_97 = arith.constant 0 : i32
      %dma_wait3A_98 = tpu.memref_slice %arg10[%dma_wait3A_94, %dma_wait3A_96, %dma_wait3A_97] : memref<2x128x64xbf16, #tpu.memory_space<vmem>> -> memref<1x128x64xbf16, #tpu.memory_space<vmem>>
      %dma_wait3A_99 = tpu.memref_squeeze %dma_wait3A_98 : memref<1x128x64xbf16, #tpu.memory_space<vmem>> -> memref<128x64xbf16, #tpu.memory_space<vmem>>
      %dma_wait3A_100 = arith.constant 0 : i32
      %dma_wait3A_101 = tpu.memref_slice %arg8[%add3A_49, %dma_wait3A_100] : memref<80x128xi32, #tpu.memory_space<vmem>> -> memref<1x128xi32, #tpu.memory_space<vmem>>
      %dma_wait3A_102 = tpu.memref_squeeze %dma_wait3A_101 : memref<1x128xi32, #tpu.memory_space<vmem>> -> memref<128xi32, #tpu.memory_space<vmem>>
      %dma_wait3A_103 = arith.constant 0 : i32
      %dma_wait3A_104 = arith.constant 0 : i32
      %dma_wait3A_105 = tpu.memref_slice %arg2[%dma_wait3A_103, %dma_wait3A_104] : memref<10240x64xbf16, #tpu.memory_space<hbm>> -> memref<10240x64xbf16, #tpu.memory_space<hbm>>
      %dma_wait3A_106 = tpu.memref_slice %arg11[%dma_wait3A_95] : memref<2x!tpu.dma_semaphore, #tpu.memory_space<semaphore_mem>> -> memref<1x!tpu.dma_semaphore, #tpu.memory_space<semaphore_mem>>
      %dma_wait3A_107 = tpu.memref_squeeze %dma_wait3A_106 : memref<1x!tpu.dma_semaphore, #tpu.memory_space<semaphore_mem>> -> memref<!tpu.dma_semaphore, #tpu.memory_space<semaphore_mem>>
      tpu.wait_indirect_dma semaphore(%dma_wait3A_107 : memref<!tpu.dma_semaphore, #tpu.memory_space<semaphore_mem>>) src(%dma_wait3A_105 : memref<10240x64xbf16, #tpu.memory_space<hbm>>) dst(%dma_wait3A_99 : memref<128x64xbf16, #tpu.memory_space<vmem>>)
      %dma_start3A_108 = arith.constant 1 : i32
      %dma_start3A_109 = arith.constant 1 : i32
      %dma_start3A_110 = arith.constant 0 : i32
      %dma_start3A_111 = arith.constant 0 : i32
      %dma_start3A_112 = tpu.memref_slice %arg10[%dma_start3A_108, %dma_start3A_110, %dma_start3A_111] : memref<2x128x64xbf16, #tpu.memory_space<vmem>> -> memref<1x128x64xbf16, #tpu.memory_space<vmem>>
      %dma_start3A_113 = tpu.memref_squeeze %dma_start3A_112 : memref<1x128x64xbf16, #tpu.memory_space<vmem>> -> memref<128x64xbf16, #tpu.memory_space<vmem>>
      %dma_start3A_114 = arith.constant 0 : i32
      %dma_start3A_115 = tpu.memref_slice %arg9[%add3A_49, %dma_start3A_114] : memref<80x128xi32, #tpu.memory_space<vmem>> -> memref<1x128xi32, #tpu.memory_space<vmem>>
      %dma_start3A_116 = tpu.memref_squeeze %dma_start3A_115 : memref<1x128xi32, #tpu.memory_space<vmem>> -> memref<128xi32, #tpu.memory_space<vmem>>
      %dma_start3A_117 = arith.constant 0 : i32
      %dma_start3A_118 = arith.constant 0 : i32
      %dma_start3A_119 = tpu.memref_slice %arg7[%dma_start3A_117, %dma_start3A_118] : memref<10240x64xbf16, #tpu.memory_space<vmem_shared>> -> memref<10240x64xbf16, #tpu.memory_space<vmem_shared>>
      %dma_start3A_120 = tpu.memref_slice %arg12[%dma_start3A_109] : memref<2x!tpu.dma_semaphore, #tpu.memory_space<semaphore_mem>> -> memref<1x!tpu.dma_semaphore, #tpu.memory_space<semaphore_mem>>
      %dma_start3A_121 = tpu.memref_squeeze %dma_start3A_120 : memref<1x!tpu.dma_semaphore, #tpu.memory_space<semaphore_mem>> -> memref<!tpu.dma_semaphore, #tpu.memory_space<semaphore_mem>>
      tpu.enqueue_indirect_dma source(%dma_start3A_113 : memref<128x64xbf16, #tpu.memory_space<vmem>>) target(%dma_start3A_119 : memref<10240x64xbf16, #tpu.memory_space<vmem_shared>>) offsets(%dma_start3A_116 : memref<128xi32, #tpu.memory_space<vmem>>) semaphore(%dma_start3A_121 : memref<!tpu.dma_semaphore, #tpu.memory_space<semaphore_mem>>) {add = true}
      %dma_wait3A_122 = arith.constant 0 : i32
      %dma_wait3A_123 = arith.constant 0 : i32
      %dma_wait3A_124 = arith.constant 0 : i32
      %dma_wait3A_125 = arith.constant 0 : i32
      %dma_wait3A_126 = tpu.memref_slice %arg10[%dma_wait3A_122, %dma_wait3A_124, %dma_wait3A_125] : memref<2x128x64xbf16, #tpu.memory_space<vmem>> -> memref<1x128x64xbf16, #tpu.memory_space<vmem>>
      %dma_wait3A_127 = tpu.memref_squeeze %dma_wait3A_126 : memref<1x128x64xbf16, #tpu.memory_space<vmem>> -> memref<128x64xbf16, #tpu.memory_space<vmem>>
      %dma_wait3A_128 = arith.constant 0 : i32
      %dma_wait3A_129 = tpu.memref_slice %arg9[%mul3A_45, %dma_wait3A_128] : memref<80x128xi32, #tpu.memory_space<vmem>> -> memref<1x128xi32, #tpu.memory_space<vmem>>
      %dma_wait3A_130 = tpu.memref_squeeze %dma_wait3A_129 : memref<1x128xi32, #tpu.memory_space<vmem>> -> memref<128xi32, #tpu.memory_space<vmem>>
      %dma_wait3A_131 = arith.constant 0 : i32
      %dma_wait3A_132 = arith.constant 0 : i32
      %dma_wait3A_133 = tpu.memref_slice %arg7[%dma_wait3A_131, %dma_wait3A_132] : memref<10240x64xbf16, #tpu.memory_space<vmem_shared>> -> memref<10240x64xbf16, #tpu.memory_space<vmem_shared>>
      %dma_wait3A_134 = tpu.memref_slice %arg12[%dma_wait3A_123] : memref<2x!tpu.dma_semaphore, #tpu.memory_space<semaphore_mem>> -> memref<1x!tpu.dma_semaphore, #tpu.memory_space<semaphore_mem>>
      %dma_wait3A_135 = tpu.memref_squeeze %dma_wait3A_134 : memref<1x!tpu.dma_semaphore, #tpu.memory_space<semaphore_mem>> -> memref<!tpu.dma_semaphore, #tpu.memory_space<semaphore_mem>>
      tpu.wait_indirect_dma semaphore(%dma_wait3A_135 : memref<!tpu.dma_semaphore, #tpu.memory_space<semaphore_mem>>) src(%dma_wait3A_127 : memref<128x64xbf16, #tpu.memory_space<vmem>>) dst(%dma_wait3A_133 : memref<10240x64xbf16, #tpu.memory_space<vmem_shared>>)
      %lt3A = arith.constant 39 : i32
      %lt3A_136 = arith.cmpi slt, %scan3A_43, %lt3A : i32
      %convert_element_type3A_137 = arith.extui %lt3A_136 : i1 to i32
      %cond3A_138 = arith.constant 0 : i32
      %cond3A_139 = arith.cmpi ne, %convert_element_type3A_137, %cond3A_138 : i32
      scf.if %cond3A_139 {
        %add3A_140 = arith.constant 2 : i32
        %add3A_141 = arith.addi %mul3A_45, %add3A_140 : i32
        %dma_start3A_142 = arith.constant 0 : i32
        %dma_start3A_143 = arith.constant 0 : i32
        %dma_start3A_144 = arith.constant 0 : i32
        %dma_start3A_145 = arith.constant 0 : i32
        %dma_start3A_146 = tpu.memref_slice %arg10[%dma_start3A_142, %dma_start3A_144, %dma_start3A_145] : memref<2x128x64xbf16, #tpu.memory_space<vmem>> -> memref<1x128x64xbf16, #tpu.memory_space<vmem>>
        %dma_start3A_147 = tpu.memref_squeeze %dma_start3A_146 : memref<1x128x64xbf16, #tpu.memory_space<vmem>> -> memref<128x64xbf16, #tpu.memory_space<vmem>>
        %dma_start3A_148 = arith.constant 0 : i32
        %dma_start3A_149 = tpu.memref_slice %arg8[%add3A_141, %dma_start3A_148] : memref<80x128xi32, #tpu.memory_space<vmem>> -> memref<1x128xi32, #tpu.memory_space<vmem>>
        %dma_start3A_150 = tpu.memref_squeeze %dma_start3A_149 : memref<1x128xi32, #tpu.memory_space<vmem>> -> memref<128xi32, #tpu.memory_space<vmem>>
        %dma_start3A_151 = arith.constant 0 : i32
        %dma_start3A_152 = arith.constant 0 : i32
        %dma_start3A_153 = tpu.memref_slice %arg2[%dma_start3A_151, %dma_start3A_152] : memref<10240x64xbf16, #tpu.memory_space<hbm>> -> memref<10240x64xbf16, #tpu.memory_space<hbm>>
        %dma_start3A_154 = tpu.memref_slice %arg11[%dma_start3A_143] : memref<2x!tpu.dma_semaphore, #tpu.memory_space<semaphore_mem>> -> memref<1x!tpu.dma_semaphore, #tpu.memory_space<semaphore_mem>>
        %dma_start3A_155 = tpu.memref_squeeze %dma_start3A_154 : memref<1x!tpu.dma_semaphore, #tpu.memory_space<semaphore_mem>> -> memref<!tpu.dma_semaphore, #tpu.memory_space<semaphore_mem>>
        tpu.enqueue_indirect_dma source(%dma_start3A_153 : memref<10240x64xbf16, #tpu.memory_space<hbm>>) target(%dma_start3A_147 : memref<128x64xbf16, #tpu.memory_space<vmem>>) offsets(%dma_start3A_150 : memref<128xi32, #tpu.memory_space<vmem>>) semaphore(%dma_start3A_155 : memref<!tpu.dma_semaphore, #tpu.memory_space<semaphore_mem>>)
      } else {
      }
    }
    %scan3A_23 = arith.constant 40 : i32
    %dma_wait3A = arith.constant 1 : i32
    %dma_wait3A_24 = arith.constant 79 : i32
    %dma_wait3A_25 = arith.constant 1 : i32
    %dma_wait3A_26 = arith.constant 0 : i32
    %dma_wait3A_27 = arith.constant 0 : i32
    %dma_wait3A_28 = tpu.memref_slice %arg10[%dma_wait3A, %dma_wait3A_26, %dma_wait3A_27] : memref<2x128x64xbf16, #tpu.memory_space<vmem>> -> memref<1x128x64xbf16, #tpu.memory_space<vmem>>
    %dma_wait3A_29 = tpu.memref_squeeze %dma_wait3A_28 : memref<1x128x64xbf16, #tpu.memory_space<vmem>> -> memref<128x64xbf16, #tpu.memory_space<vmem>>
    %dma_wait3A_30 = arith.constant 0 : i32
    %dma_wait3A_31 = tpu.memref_slice %arg9[%dma_wait3A_24, %dma_wait3A_30] : memref<80x128xi32, #tpu.memory_space<vmem>> -> memref<1x128xi32, #tpu.memory_space<vmem>>
    %dma_wait3A_32 = tpu.memref_squeeze %dma_wait3A_31 : memref<1x128xi32, #tpu.memory_space<vmem>> -> memref<128xi32, #tpu.memory_space<vmem>>
    %dma_wait3A_33 = arith.constant 0 : i32
    %dma_wait3A_34 = arith.constant 0 : i32
    %dma_wait3A_35 = tpu.memref_slice %arg7[%dma_wait3A_33, %dma_wait3A_34] : memref<10240x64xbf16, #tpu.memory_space<vmem_shared>> -> memref<10240x64xbf16, #tpu.memory_space<vmem_shared>>
    %dma_wait3A_36 = tpu.memref_slice %arg12[%dma_wait3A_25] : memref<2x!tpu.dma_semaphore, #tpu.memory_space<semaphore_mem>> -> memref<1x!tpu.dma_semaphore, #tpu.memory_space<semaphore_mem>>
    %dma_wait3A_37 = tpu.memref_squeeze %dma_wait3A_36 : memref<1x!tpu.dma_semaphore, #tpu.memory_space<semaphore_mem>> -> memref<!tpu.dma_semaphore, #tpu.memory_space<semaphore_mem>>
    tpu.wait_indirect_dma semaphore(%dma_wait3A_37 : memref<!tpu.dma_semaphore, #tpu.memory_space<semaphore_mem>>) src(%dma_wait3A_29 : memref<128x64xbf16, #tpu.memory_space<vmem>>) dst(%dma_wait3A_35 : memref<10240x64xbf16, #tpu.memory_space<vmem_shared>>)
    %barrier3A_38 = arith.constant 0 : index
    tpu.barrier barrier_id(%barrier3A_38)
    %mul3A_39 = arith.constant 640 : i32
    %mul3A_40 = arith.muli %arg1, %mul3A_39 : i32
    %mul3A_41 = arith.constant 640 : i32
    %mul3A_42 = arith.muli %arg1, %mul3A_41 : i32
    "tpu.region"() ({
      %run_scoped3A = tpu.sem_alloc : memref<!tpu.dma_semaphore, #tpu.memory_space<semaphore_mem>>
      %dma_start3A_43 = arith.constant 0 : i32
      %dma_start3A_44 = arith.constant 0 : i32
      %dma_start3A_45 = tpu.memref_slice %arg6[%arg0, %dma_start3A_43, %dma_start3A_44] : memref<2x10240x64xbf16, #tpu.memory_space<hbm>> -> memref<1x10240x64xbf16, #tpu.memory_space<hbm>>
      %dma_start3A_46 = tpu.memref_squeeze %dma_start3A_45 : memref<1x10240x64xbf16, #tpu.memory_space<hbm>> -> memref<10240x64xbf16, #tpu.memory_space<hbm>>
      %dma_start3A_47 = arith.constant 0 : i32
      %dma_start3A_48 = tpu.memref_slice %dma_start3A_46[%mul3A_42, %dma_start3A_47] : memref<10240x64xbf16, #tpu.memory_space<hbm>> -> memref<640x64xbf16, #tpu.memory_space<hbm>>
      %dma_start3A_49 = arith.constant 0 : i32
      %dma_start3A_50 = tpu.memref_slice %arg7[%mul3A_40, %dma_start3A_49] : memref<10240x64xbf16, #tpu.memory_space<vmem_shared>> -> memref<640x64xbf16, #tpu.memory_space<vmem_shared>>
      tpu.enqueue_dma source(%dma_start3A_50 : memref<640x64xbf16, #tpu.memory_space<vmem_shared>>) target(%dma_start3A_48 : memref<640x64xbf16, #tpu.memory_space<hbm>>) target_semaphore(%run_scoped3A : memref<!tpu.dma_semaphore, #tpu.memory_space<semaphore_mem>>)
      %dma_wait3A_51 = arith.constant 0 : i32
      %dma_wait3A_52 = arith.constant 0 : i32
      %dma_wait3A_53 = tpu.memref_slice %arg6[%arg0, %dma_wait3A_51, %dma_wait3A_52] : memref<2x10240x64xbf16, #tpu.memory_space<hbm>> -> memref<1x10240x64xbf16, #tpu.memory_space<hbm>>
      %dma_wait3A_54 = tpu.memref_squeeze %dma_wait3A_53 : memref<1x10240x64xbf16, #tpu.memory_space<hbm>> -> memref<10240x64xbf16, #tpu.memory_space<hbm>>
      %dma_wait3A_55 = arith.constant 0 : i32
      %dma_wait3A_56 = tpu.memref_slice %dma_wait3A_54[%mul3A_42, %dma_wait3A_55] : memref<10240x64xbf16, #tpu.memory_space<hbm>> -> memref<640x64xbf16, #tpu.memory_space<hbm>>
      %dma_wait3A_57 = arith.constant 0 : i32
      %dma_wait3A_58 = tpu.memref_slice %arg7[%mul3A_40, %dma_wait3A_57] : memref<10240x64xbf16, #tpu.memory_space<vmem_shared>> -> memref<640x64xbf16, #tpu.memory_space<vmem_shared>>
      tpu.wait_dma2 semaphore(%run_scoped3A : memref<!tpu.dma_semaphore, #tpu.memory_space<semaphore_mem>>) src(%dma_wait3A_58 : memref<640x64xbf16, #tpu.memory_space<vmem_shared>>) dst(%dma_wait3A_56 : memref<640x64xbf16, #tpu.memory_space<hbm>>)
      tpu.yield
    }) : () -> ()
    return
  }
}

module attributes {stable_mosaic.version = 14 : i64} {
  func.func @_tc_first_body(%arg0: memref<10240x2xf32, #tpu.memory_space<vmem>>, %arg1: memref<10240x128xf32, #tpu.memory_space<vmem>>, %arg2: memref<128x64xf32, #tpu.memory_space<vmem>>, %arg3: memref<10240x64xbf16, #tpu.memory_space<vmem>>) attributes {dimension_semantics = [], scalar_prefetch = 0 : i64, scratch_operands = 0 : i64, tpu.core_type = #tpu.core_type<tc>} {
    %get3A = arith.constant 0 : index
    %get3A_0 = arith.constant 0 : index
    %get3A_1 = vector.load %arg1[%get3A, %get3A_0] : memref<10240x128xf32, #tpu.memory_space<vmem>>, vector<10240x128xf32>
    %get3A_2 = arith.constant 0 : index
    %get3A_3 = arith.constant 0 : index
    %get3A_4 = vector.load %arg2[%get3A_2, %get3A_3] : memref<128x64xf32, #tpu.memory_space<vmem>>, vector<128x64xf32>
    %dot_general3A = arith.constant dense<0.000000e+00> : vector<10240x64xf32>
    %dot_general3A_5 = tpu.matmul %get3A_1, %get3A_4, %dot_general3A {dimension_numbers = #tpu.dot_dimension_numbers<[1], [0], [0], [1], [0, 0, 1, 1], [], []>, transpose_lhs_hint = false} : vector<10240x128xf32>, vector<128x64xf32>, vector<10240x64xf32> -> vector<10240x64xf32>
    %get3A_6 = arith.constant 0 : index
    %get3A_7 = arith.constant 0 : index
    %get3A_8 = vector.load %arg0[%get3A_6, %get3A_7] : memref<10240x2xf32, #tpu.memory_space<vmem>>, vector<10240x1xf32>
    %add3A = arith.constant 1.000000e+00 : f32
    %add3A_9 = vector.broadcast %add3A : f32 to vector<10240x1xf32>
    %add3A_10 = arith.addf %add3A_9, %get3A_8 : vector<10240x1xf32>
    %get3A_11 = arith.constant 0 : index
    %get3A_12 = arith.constant 1 : index
    %get3A_13 = vector.load %arg0[%get3A_11, %get3A_12] : memref<10240x2xf32, #tpu.memory_space<vmem>>, vector<10240x1xf32>
    %add3A_14 = arith.addf %add3A_10, %get3A_13 : vector<10240x1xf32>
    %rsqrt3A = math.rsqrt %add3A_14 : vector<10240x1xf32>
    %mul3A = vector.broadcast %rsqrt3A : vector<10240x1xf32> to vector<10240x64xf32>
    %mul3A_15 = arith.mulf %mul3A, %dot_general3A_5 : vector<10240x64xf32>
    %convert_element_type3A = arith.truncf %mul3A_15 : vector<10240x64xf32> to vector<10240x64xbf16>
    %swap3A = arith.constant 0 : index
    %swap3A_16 = arith.constant 0 : index
    %swap3A_17 = vector.load %arg3[%swap3A, %swap3A_16] : memref<10240x64xbf16, #tpu.memory_space<vmem>>, vector<10240x64xbf16>
    tpu.vector_store %arg3[%swap3A, %swap3A_16], %convert_element_type3A {strides = array<i32>} : memref<10240x64xbf16, #tpu.memory_space<vmem>>, vector<10240x64xbf16>,
    return
  }
}

module attributes {stable_mosaic.version = 14 : i64} {
  func.func @_tc_mid_body(%arg0: memref<10240x2xf32, #tpu.memory_space<vmem>>, %arg1: memref<2x10240x64xbf16, #tpu.memory_space<vmem>>, %arg2: memref<10240x64xbf16, #tpu.memory_space<vmem>>, %arg3: memref<1x64xf32, #tpu.memory_space<vmem>>, %arg4: memref<64x64xf32, #tpu.memory_space<vmem>>, %arg5: memref<10240x64xbf16, #tpu.memory_space<vmem>>) attributes {dimension_semantics = [], scalar_prefetch = 0 : i64, scratch_operands = 0 : i64, tpu.core_type = #tpu.core_type<tc>} {
    %get3A = arith.constant 0 : index
    %get3A_0 = arith.constant 0 : index
    %get3A_1 = vector.load %arg0[%get3A, %get3A_0] : memref<10240x2xf32, #tpu.memory_space<vmem>>, vector<10240x1xf32>
    %add3A = arith.constant 1.000000e+00 : f32
    %add3A_2 = vector.broadcast %add3A : f32 to vector<10240x1xf32>
    %add3A_3 = arith.addf %add3A_2, %get3A_1 : vector<10240x1xf32>
    %get3A_4 = arith.constant 0 : index
    %get3A_5 = arith.constant 1 : index
    %get3A_6 = vector.load %arg0[%get3A_4, %get3A_5] : memref<10240x2xf32, #tpu.memory_space<vmem>>, vector<10240x1xf32>
    %add3A_7 = arith.addf %add3A_3, %get3A_6 : vector<10240x1xf32>
    %rsqrt3A = math.rsqrt %add3A_7 : vector<10240x1xf32>
    %get3A_8 = arith.constant 0 : index
    %get3A_9 = arith.constant 0 : index
    %get3A_10 = arith.constant 0 : index
    %get3A_11 = vector.load %arg1[%get3A_8, %get3A_9, %get3A_10] : memref<2x10240x64xbf16, #tpu.memory_space<vmem>>, vector<1x10240x64xbf16>
    %get3A_12 = vector.shape_cast %get3A_11 : vector<1x10240x64xbf16> to vector<10240x64xbf16>
    %convert_element_type3A = arith.extf %get3A_12 : vector<10240x64xbf16> to vector<10240x64xf32>
    %get3A_13 = arith.constant 1 : index
    %get3A_14 = arith.constant 0 : index
    %get3A_15 = arith.constant 0 : index
    %get3A_16 = vector.load %arg1[%get3A_13, %get3A_14, %get3A_15] : memref<2x10240x64xbf16, #tpu.memory_space<vmem>>, vector<1x10240x64xbf16>
    %get3A_17 = vector.shape_cast %get3A_16 : vector<1x10240x64xbf16> to vector<10240x64xbf16>
    %convert_element_type3A_18 = arith.extf %get3A_17 : vector<10240x64xbf16> to vector<10240x64xf32>
    %add3A_19 = arith.addf %convert_element_type3A, %convert_element_type3A_18 : vector<10240x64xf32>
    %get3A_20 = arith.constant 0 : index
    %get3A_21 = arith.constant 0 : index
    %get3A_22 = vector.load %arg2[%get3A_20, %get3A_21] : memref<10240x64xbf16, #tpu.memory_space<vmem>>, vector<10240x64xbf16>
    %convert_element_type3A_23 = arith.extf %get3A_22 : vector<10240x64xbf16> to vector<10240x64xf32>
    %add3A_24 = arith.addf %add3A_19, %convert_element_type3A_23 : vector<10240x64xf32>
    %mul3A = vector.broadcast %rsqrt3A : vector<10240x1xf32> to vector<10240x64xf32>
    %mul3A_25 = arith.mulf %mul3A, %add3A_24 : vector<10240x64xf32>
    %get3A_26 = arith.constant 0 : index
    %get3A_27 = arith.constant 0 : index
    %get3A_28 = vector.load %arg3[%get3A_26, %get3A_27] : memref<1x64xf32, #tpu.memory_space<vmem>>, vector<1x64xf32>
    %add3A_29 = vector.broadcast %get3A_28 : vector<1x64xf32> to vector<10240x64xf32>
    %add3A_30 = arith.addf %mul3A_25, %add3A_29 : vector<10240x64xf32>
    %max3A = arith.constant 0.000000e+00 : f32
    %max3A_31 = vector.broadcast %max3A : f32 to vector<10240x64xf32>
    %max3A_32 = arith.maximumf %add3A_30, %max3A_31 : vector<10240x64xf32>
    %get3A_33 = arith.constant 0 : index
    %get3A_34 = arith.constant 0 : index
    %get3A_35 = vector.load %arg4[%get3A_33, %get3A_34] : memref<64x64xf32, #tpu.memory_space<vmem>>, vector<64x64xf32>
    %dot_general3A = arith.constant dense<0.000000e+00> : vector<10240x64xf32>
    %dot_general3A_36 = tpu.matmul %max3A_32, %get3A_35, %dot_general3A {dimension_numbers = #tpu.dot_dimension_numbers<[1], [0], [0], [1], [0, 0, 1, 1], [], []>, transpose_lhs_hint = false} : vector<10240x64xf32>, vector<64x64xf32>, vector<10240x64xf32> -> vector<10240x64xf32>
    %mul3A_37 = vector.broadcast %rsqrt3A : vector<10240x1xf32> to vector<10240x64xf32>
    %mul3A_38 = arith.mulf %mul3A_37, %dot_general3A_36 : vector<10240x64xf32>
    %convert_element_type3A_39 = arith.truncf %mul3A_38 : vector<10240x64xf32> to vector<10240x64xbf16>
    %swap3A = arith.constant 0 : index
    %swap3A_40 = arith.constant 0 : index
    %swap3A_41 = vector.load %arg5[%swap3A, %swap3A_40] : memref<10240x64xbf16, #tpu.memory_space<vmem>>, vector<10240x64xbf16>
    tpu.vector_store %arg5[%swap3A, %swap3A_40], %convert_element_type3A_39 {strides = array<i32>} : memref<10240x64xbf16, #tpu.memory_space<vmem>>, vector<10240x64xbf16>,
    return
  }
}

module attributes {stable_mosaic.version = 14 : i64} {
  func.func @_tc_final_body(%arg0: memref<10240x2xf32, #tpu.memory_space<vmem>>, %arg1: memref<2x10240x64xbf16, #tpu.memory_space<vmem>>, %arg2: memref<10240x64xbf16, #tpu.memory_space<vmem>>, %arg3: memref<1x64xf32, #tpu.memory_space<vmem>>, %arg4: memref<1x10240xi32, #tpu.memory_space<vmem>>, %arg5: memref<64x32xf32, #tpu.memory_space<vmem>>, %arg6: memref<1x32xf32, #tpu.memory_space<vmem>>, %arg7: memref<32x1xf32, #tpu.memory_space<vmem>>, %arg8: memref<1x1xf32, #tpu.memory_space<vmem>>, %arg9: memref<64x1xf32, #tpu.memory_space<vmem>>) attributes {dimension_semantics = [], scalar_prefetch = 0 : i64, scratch_operands = 0 : i64, tpu.core_type = #tpu.core_type<tc>} {
    %get3A = arith.constant 0 : index
    %get3A_0 = arith.constant 0 : index
    %get3A_1 = vector.load %arg0[%get3A, %get3A_0] : memref<10240x2xf32, #tpu.memory_space<vmem>>, vector<10240x1xf32>
    %add3A = arith.constant 1.000000e+00 : f32
    %add3A_2 = vector.broadcast %add3A : f32 to vector<10240x1xf32>
    %add3A_3 = arith.addf %add3A_2, %get3A_1 : vector<10240x1xf32>
    %get3A_4 = arith.constant 0 : index
    %get3A_5 = arith.constant 1 : index
    %get3A_6 = vector.load %arg0[%get3A_4, %get3A_5] : memref<10240x2xf32, #tpu.memory_space<vmem>>, vector<10240x1xf32>
    %add3A_7 = arith.addf %add3A_3, %get3A_6 : vector<10240x1xf32>
    %rsqrt3A = math.rsqrt %add3A_7 : vector<10240x1xf32>
    %get3A_8 = arith.constant 0 : index
    %get3A_9 = arith.constant 0 : index
    %get3A_10 = arith.constant 0 : index
    %get3A_11 = vector.load %arg1[%get3A_8, %get3A_9, %get3A_10] : memref<2x10240x64xbf16, #tpu.memory_space<vmem>>, vector<1x10240x64xbf16>
    %get3A_12 = vector.shape_cast %get3A_11 : vector<1x10240x64xbf16> to vector<10240x64xbf16>
    %convert_element_type3A = arith.extf %get3A_12 : vector<10240x64xbf16> to vector<10240x64xf32>
    %get3A_13 = arith.constant 1 : index
    %get3A_14 = arith.constant 0 : index
    %get3A_15 = arith.constant 0 : index
    %get3A_16 = vector.load %arg1[%get3A_13, %get3A_14, %get3A_15] : memref<2x10240x64xbf16, #tpu.memory_space<vmem>>, vector<1x10240x64xbf16>
    %get3A_17 = vector.shape_cast %get3A_16 : vector<1x10240x64xbf16> to vector<10240x64xbf16>
    %convert_element_type3A_18 = arith.extf %get3A_17 : vector<10240x64xbf16> to vector<10240x64xf32>
    %add3A_19 = arith.addf %convert_element_type3A, %convert_element_type3A_18 : vector<10240x64xf32>
    %get3A_20 = arith.constant 0 : index
    %get3A_21 = arith.constant 0 : index
    %get3A_22 = vector.load %arg2[%get3A_20, %get3A_21] : memref<10240x64xbf16, #tpu.memory_space<vmem>>, vector<10240x64xbf16>
    %convert_element_type3A_23 = arith.extf %get3A_22 : vector<10240x64xbf16> to vector<10240x64xf32>
    %add3A_24 = arith.addf %add3A_19, %convert_element_type3A_23 : vector<10240x64xf32>
    %mul3A = vector.broadcast %rsqrt3A : vector<10240x1xf32> to vector<10240x64xf32>
    %mul3A_25 = arith.mulf %mul3A, %add3A_24 : vector<10240x64xf32>
    %get3A_26 = arith.constant 0 : index
    %get3A_27 = arith.constant 0 : index
    %get3A_28 = vector.load %arg3[%get3A_26, %get3A_27] : memref<1x64xf32, #tpu.memory_space<vmem>>, vector<1x64xf32>
    %add3A_29 = vector.broadcast %get3A_28 : vector<1x64xf32> to vector<10240x64xf32>
    %add3A_30 = arith.addf %mul3A_25, %add3A_29 : vector<10240x64xf32>
    %max3A = arith.constant 0.000000e+00 : f32
    %max3A_31 = vector.broadcast %max3A : f32 to vector<10240x64xf32>
    %max3A_32 = arith.maximumf %add3A_30, %max3A_31 : vector<10240x64xf32>
    %iota3A = tpu.iota {dimensions = array<i32: 0>} : vector<64x10240xi32>
    %get3A_33 = arith.constant 0 : index
    %get3A_34 = arith.constant 0 : index
    %get3A_35 = vector.load %arg4[%get3A_33, %get3A_34] : memref<1x10240xi32, #tpu.memory_space<vmem>>, vector<1x10240xi32>
    %eq3A = vector.broadcast %get3A_35 : vector<1x10240xi32> to vector<64x10240xi32>
    %eq3A_36 = arith.cmpi eq, %eq3A, %iota3A : vector<64x10240xi32>
    %convert_element_type3A_37 = arith.extui %eq3A_36 : vector<64x10240xi1> to vector<64x10240xi32>
    %convert_element_type3A_38 = arith.sitofp %convert_element_type3A_37 : vector<64x10240xi32> to vector<64x10240xf32>
    %reduce_sum3A = arith.constant dense<0.000000e+00> : vector<64xf32>
    %reduce_sum3A_39 = vector.multi_reduction <add>, %convert_element_type3A_38, %reduce_sum3A [1] : vector<64x10240xf32> to vector<64xf32>
    %broadcast_in_dim3A = vector.shape_cast %reduce_sum3A_39 : vector<64xf32> to vector<64x1xf32>
    %dot_general3A = arith.constant dense<0.000000e+00> : vector<64x64xf32>
    %dot_general3A_40 = tpu.matmul %convert_element_type3A_38, %max3A_32, %dot_general3A {dimension_numbers = #tpu.dot_dimension_numbers<[1], [0], [0], [1], [0, 0, 1, 1], [], []>, transpose_lhs_hint = false} : vector<64x10240xf32>, vector<10240x64xf32>, vector<64x64xf32> -> vector<64x64xf32>
    %max3A_41 = arith.constant 1.000000e+00 : f32
    %max3A_42 = vector.broadcast %max3A_41 : f32 to vector<64x1xf32>
    %max3A_43 = arith.maximumf %broadcast_in_dim3A, %max3A_42 : vector<64x1xf32>
    %div3A = vector.broadcast %max3A_43 : vector<64x1xf32> to vector<64x64xf32>
    %div3A_44 = arith.divf %dot_general3A_40, %div3A : vector<64x64xf32>
    %get3A_45 = arith.constant 0 : index
    %get3A_46 = arith.constant 0 : index
    %get3A_47 = vector.load %arg5[%get3A_45, %get3A_46] : memref<64x32xf32, #tpu.memory_space<vmem>>, vector<64x32xf32>
    %dot_general3A_48 = arith.constant dense<0.000000e+00> : vector<64x32xf32>
    %dot_general3A_49 = tpu.matmul %div3A_44, %get3A_47, %dot_general3A_48 {dimension_numbers = #tpu.dot_dimension_numbers<[1], [0], [0], [1], [0, 0, 1, 1], [], []>, transpose_lhs_hint = false} : vector<64x64xf32>, vector<64x32xf32>, vector<64x32xf32> -> vector<64x32xf32>
    %get3A_50 = arith.constant 0 : index
    %get3A_51 = arith.constant 0 : index
    %get3A_52 = vector.load %arg6[%get3A_50, %get3A_51] : memref<1x32xf32, #tpu.memory_space<vmem>>, vector<1x32xf32>
    %add3A_53 = vector.broadcast %get3A_52 : vector<1x32xf32> to vector<64x32xf32>
    %add3A_54 = arith.addf %dot_general3A_49, %add3A_53 : vector<64x32xf32>
    %max3A_55 = arith.constant 0.000000e+00 : f32
    %max3A_56 = vector.broadcast %max3A_55 : f32 to vector<64x32xf32>
    %max3A_57 = arith.maximumf %add3A_54, %max3A_56 : vector<64x32xf32>
    %get3A_58 = arith.constant 0 : index
    %get3A_59 = arith.constant 0 : index
    %get3A_60 = vector.load %arg7[%get3A_58, %get3A_59] : memref<32x1xf32, #tpu.memory_space<vmem>>, vector<32x1xf32>
    %dot_general3A_61 = arith.constant dense<0.000000e+00> : vector<64x1xf32>
    %dot_general3A_62 = tpu.matmul %max3A_57, %get3A_60, %dot_general3A_61 {dimension_numbers = #tpu.dot_dimension_numbers<[1], [0], [0], [1], [0, 0, 1, 1], [], []>, transpose_lhs_hint = false} : vector<64x32xf32>, vector<32x1xf32>, vector<64x1xf32> -> vector<64x1xf32>
    %get3A_63 = arith.constant 0 : index
    %get3A_64 = arith.constant 0 : index
    %get3A_65 = vector.load %arg8[%get3A_63, %get3A_64] : memref<1x1xf32, #tpu.memory_space<vmem>>, vector<1x1xf32>
    %add3A_66 = vector.broadcast %get3A_65 : vector<1x1xf32> to vector<64x1xf32>
    %add3A_67 = arith.addf %dot_general3A_62, %add3A_66 : vector<64x1xf32>
    %logistic3A = arith.negf %add3A_67 : vector<64x1xf32>
    %logistic3A_68 = math.exp %logistic3A : vector<64x1xf32>
    %logistic3A_69 = arith.constant 1.000000e+00 : f32
    %logistic3A_70 = vector.broadcast %logistic3A_69 : f32 to vector<64x1xf32>
    %logistic3A_71 = arith.addf %logistic3A_70, %logistic3A_68 : vector<64x1xf32>
    %logistic3A_72 = arith.divf %logistic3A_70, %logistic3A_71 : vector<64x1xf32>
    %swap3A = arith.constant 0 : index
    %swap3A_73 = arith.constant 0 : index
    %swap3A_74 = vector.load %arg9[%swap3A, %swap3A_73] : memref<64x1xf32, #tpu.memory_space<vmem>>, vector<64x1xf32>
    tpu.vector_store %arg9[%swap3A, %swap3A_73], %logistic3A_72 {strides = array<i32>} : memref<64x1xf32, #tpu.memory_space<vmem>>, vector<64x1xf32>,
    return
  }
}

</mosaic_0001>

<sc_bundles>
// kernel: kernel.10.cloned.1.call-start
scs
__scs_entry_jumppad:
0x0: {  	(pc) =	sbr.rel $0x88, $3  }
0x1: {  	(tag) =	ssettag $0x0;
	lr =	simm.s32 $0x1  }
0x2: {  	[smem:$0x3F94] =	sst lr;
	_ =	strace $0xD0000000  }
0x3: {  	_ = 	snop  }
0x4: {  	_ = 	snop  }
0x5: {  	_ = 	snop  }
0x6: {  	_ = 	snop  }
0x7: {  	_ = 	snop  }
__scs_overlays_trampoline_lowered:
0x8: {  	[smem:$0x3FA3] =	sst s0  }
0x9: {  	[smem:$0x3FA4] =	sst s1  }
0xa: {  	[smem:$0x3FA5] =	sst s2  }
0xb: {  	[smem:$0x3FA6] =	sst s3  }
0xc: {  	[smem:$0x3FA7] =	sst s4  }
0xd: {  	[smem:$0x3FA8] =	sst s5  }
0xe: {  	[smem:$0x3FA9] =	sst s6  }
0xf: {  	[smem:$0x3FAA] =	sst s7  }
0x10: {  	[smem:$0x3FAB] =	sst s8  }
0x11: {  	[smem:$0x3FAC] =	sst s9;
	s0 =	simm.s32 @!p0 $0x0  }
0x12: {  	s1 =	sld [smem:$0x3F92];
	s0 =	simm.s32 @p0 $0x1  }
0x13: {  	[smem:$0x3FAD] =	sst s0;
	s0 =	simm.s32 @!p1 $0x0  }
0x14: {  	s2 =	sld [smem:$0x3F91];
	s0 =	simm.s32 @p1 $0x1  }
0x15: {  	[smem:$0x3FAE] =	sst s0;
	s0 =	simm.s32 @!p2 $0x0  }
0x16: {  	s3 =	sld [smem:$0x3FDB];
	s0 =	simm.s32 @p2 $0x1  }
0x17: {  	s4 =	simm.s32 $0x1BF5;
	[smem:$0x3FB0] =	sst s0  }
0x18: {  	s0 =	sld [smem:$0x3F93];
	_ =	swait.ge [sflag:s4], $0x0  }
0x19: {  	s7 =	sld [smem:$0x3F94]  }
0x1a: {  	s8 =	sadd.s32 $0xFFFFE003, lr  }
0x1b: {  	s9 =	sadd.s32 $0xFFFFFEF7, lr;
	s5 =	simm.s32 $0xFFFFFFFF;
	p2 =	slt.u32 s8, $0xFFFFF086  }
0x1c: {  	p1 =	slt.u32 s9, $0xF7A;
	s5 =	simm.s32 @!p2 $0x0  }
0x1d: {  	s5 =	simm.s32 @p1 $0x1;
	p0 =	seq.s32 s7, s2  }
0x1e: {  	s7 =	smul.u32 @!p0 $0xF7A, s2;
	p2 =	seq.s32 @!p0 s5, $0x0  }
0x1f: {  	s9 =	smul.u32 $0xF7A, s1;
	s8 =	simm.s32 @!p0 $0x1BF5;
	p2 =	por !p2, p0  }
0x20: {  	[sflag:s8] =	ssyncset.s32 @!p0 $0xFFFFF086;
	s6 =	sadd.s32 @!p0 s3, s7;
	s7 =	simm.s32 @!p0 $0x108  }
0x21: {  	s3 =	sadd.s32 s3, s9;
	s6 =	sadd.s32 @!p0 $0x88, s6;
	s7 =	simm.s32 @p2 $0x1082  }
0x22: {  	[simem:s7], [sflag:s8] =	dma.local @!p0 [hbm:s6], $0xF7A  }
0x23: {  	s9 =	sor.u32 $0xD0000000, s2;
	s6 =	simm.s32 $0x108;
	_ =	swait.ge @!p0 [sflag:s8], $0x0  }
0x24: {  	s3 =	sadd.s32 $0x88, s3;
	s6 =	simm.s32 @!p1 $0x1082;
	[sflag:s4] =	ssyncset.s32 $0xFFFFF086  }
0x25: {  	[simem:s6], [sflag:s4] =	dma.local [hbm:s3], $0xF7A  }
0x26: {  	[smem:$0x3F94] =	sst s1;
	(tag) =	ssettag s2;
	_ =	strace s9  }
0x27: {  	s1 =	sld [smem:$0x3FA4]  }
0x28: {  	s2 =	sld [smem:$0x3FA5]  }
0x29: {  	s4 =	sld [smem:$0x3FA7]  }
0x2a: {  	p0 =	seq.s32 s5, $0x0;
	s5 =	sld [smem:$0x3FA8]  }
0x2b: {  	s6 =	sld [smem:$0x3FA9]  }
0x2c: {  	s7 =	sld [smem:$0x3FAA]  }
0x2d: {  	s3 =	simm.s32 $0x108;
	s8 =	sld [smem:$0x3FAB]  }
0x2e: {  	s3 =	simm.s32 @!p0 $0x1082;
	s9 =	sld [smem:$0x3FAC]  }
0x2f: {  	lr =	sadd.s32 s0, s3;
	s0 =	sld [smem:$0x3FA3]  }
0x30: {  	s3 =	sld [smem:$0x3FA6]  }
0x31: {  	[smem:$0x3FAF] =	sst s10  }
0x32: {  	s10 =	sld [smem:$0x3FAD];
	_ =	sdelay $0x3  }
0x33: {  	p0 =	seq.s32 s10, $0x1;
	s10 =	sld [smem:$0x3FAF];
	_ =	sdelay $0x3  }
0x34: {  	[smem:$0x3FAF] =	sst s10  }
0x35: {  	s10 =	sld [smem:$0x3FAE];
	_ =	sdelay $0x3  }
0x36: {  	p1 =	seq.s32 s10, $0x1;
	s10 =	sld [smem:$0x3FAF];
	_ =	sdelay $0x3  }
0x37: {  	[smem:$0x3FAF] =	sst s10  }
0x38: {  	s10 =	sld [smem:$0x3FB0]  }
0x39: {  	_ = 	snop;
	(pc) =	sbr.ind lr, $3  }
0x3a: {  	_ = 	snop  }
0x3b: {  	_ = 	snop  }
0x3c: {  	p2 =	seq.s32 s10, $0x1;
	s10 =	sld [smem:$0x3FAF]  }
0x3d: {  	_ =	shalt  }
0x3e: {  	_ =	shalt  }
0x3f: {  	_ =	shalt  }
0x40: {  	_ =	shalt  }
0x41: {  	_ =	shalt  }
0x42: {  	_ =	shalt  }
0x43: {  	_ =	shalt  }
0x44: {  	_ =	shalt  }
0x45: {  	_ =	shalt  }
0x46: {  	_ =	shalt  }
0x47: {  	_ =	shalt  }
0x48: {  	_ =	shalt  }
0x49: {  	_ =	shalt  }
0x4a: {  	_ =	shalt  }
0x4b: {  	_ =	shalt  }
0x4c: {  	_ =	shalt  }
0x4d: {  	_ =	shalt  }
0x4e: {  	_ =	shalt  }
0x4f: {  	_ =	shalt  }
0x50: {  	_ =	shalt  }
0x51: {  	_ =	shalt  }
0x52: {  	_ =	shalt  }
0x53: {  	_ =	shalt  }
0x54: {  	_ =	shalt  }
0x55: {  	_ =	shalt  }
0x56: {  	_ =	shalt  }
0x57: {  	_ =	shalt  }
0x58: {  	_ =	shalt  }
0x59: {  	_ =	shalt  }
0x5a: {  	_ =	shalt  }
0x5b: {  	_ =	shalt  }
0x5c: {  	_ =	shalt  }
0x5d: {  	_ =	shalt  }
0x5e: {  	_ =	shalt  }
0x5f: {  	_ =	shalt  }
0x60: {  	_ =	shalt  }
0x61: {  	_ =	shalt  }
0x62: {  	_ =	shalt  }
0x63: {  	_ =	shalt  }
0x64: {  	_ =	shalt  }
0x65: {  	_ =	shalt  }
0x66: {  	_ =	shalt  }
0x67: {  	_ =	shalt  }
0x68: {  	_ =	shalt  }
0x69: {  	_ =	shalt  }
0x6a: {  	_ =	shalt  }
0x6b: {  	_ =	shalt  }
0x6c: {  	_ =	shalt  }
0x6d: {  	_ =	shalt  }
0x6e: {  	_ =	shalt  }
0x6f: {  	_ =	shalt  }
0x70: {  	_ =	shalt  }
0x71: {  	_ =	shalt  }
0x72: {  	_ =	shalt  }
0x73: {  	_ =	shalt  }
0x74: {  	_ =	shalt  }
0x75: {  	_ =	shalt  }
0x76: {  	_ =	shalt  }
0x77: {  	_ =	shalt  }
0x78: {  	_ =	shalt  }
0x79: {  	_ =	shalt  }
0x7a: {  	_ =	shalt  }
0x7b: {  	_ =	shalt  }
0x7c: {  	_ =	shalt  }
0x7d: {  	_ =	shalt  }
0x7e: {  	_ =	shalt  }
0x7f: {  	_ =	shalt  }
0x80: {  	_ =	shalt  }
0x81: {  	_ =	shalt  }
0x82: {  	_ =	shalt  }
0x83: {  	_ =	shalt  }
0x84: {  	_ =	shalt  }
0x85: {  	_ =	shalt  }
0x86: {  	_ =	shalt  }
0x87: {  	_ =	shalt  }
.Lfunc_end0:
.L_simem_size_0:
called_computation_lowered:
.L_overlay_start_0:
0x88: {  	s2 =	sld [smem:$0x3FD9]  }
0x89: {  	s3 =	sld [smem:$0x3FFE];
	_ =	sdelay $0x1  }
0x8a: {  	s1 =	srdreg.scid  }
0x8b: {  	s0 =	sand.u32 $0x1, s1  }
0x8c: {  	s17 =	sshll.u32 s0, $0xA;
	s2 =	sadd.s32 s3, s2  }
0x8d: {  	s2 =	sadd.s32 s2, s17  }
0x8e: {  	[smem:$0x3FBB] =	sst s2  }
0x8f: {  	_ = 	snop  }
0x90: {  	s2 =	sld [smem:$0x3FD0];
	(tm) =	ssettm $0x1  }
0x91: {  	s18 =	sld [smem:$0x3FFB];
	_ =	sdelay $0x3  }
0x92: {  	_ =	strace s18  }
0x93: {  	s3 =	sld [smem:$0x3FFC];
	_ =	sdelay $0x3  }
0x94: {  	_ =	strace s3  }
0x95: {  	s3 =	sld [smem:$0x3FFD];
	_ =	sdelay $0x3  }
0x96: {  	_ =	strace s3  }
0x97: {  	_ =	strace $0x8FFFFFFF  }
0x98: {  	s19 =	sld [smem:$0x3FDB];
	_ =	sdelay $0x1  }
0x99: {  	s4 =	simm.s32 $_scs_section_size  }
0x9a: {  	s5 =	simm.s32 $_size__tile_overlayer_lowered;
	s6 =	simm.s32 $_tile_overlayer_lowered  }
0x9b: {  	s22 =	simm.s32 $0x1BFF;
	s21 =	sshll.u32 s6, $0x1;
	s3 =	sadd.s32 s4, s19  }
0x9c: {  	s7 =	simm.s32 $0x0;
	s20 =	sshll.u32 s5, $0x1;
	s5 =	sadd.s32 s21, s3  }
0x9d: {  	[timem:s7], [sflag:s22] =	dma.local [hbm:s5], s20  }
0x9e: {  	_ =	swait.ge [sflag:s22], s20  }
0x9f: {  	s4 =	ssub.s32 $0x0, s20;
	[sflag:s22] =	ssyncset.done $0x0  }
0xa0: {  	[sflag:s22] =	ssyncadd.s32 s4;
	_ =	sdelay $0x1  }
0xa1: {  	s23 =	simm.s32 $0x1B8B  }
0xa2: {  	_ =	swait.ge [sflag:s23], $0x1  }
0xa3: {  	[sflag:s23] =	ssyncset.done $0x0  }
0xa4: {  	s25 =	simm.s32 $0x1B8E;
	s24 =	sld [smem:$0x3FFE];
	[sflag:s23] =	ssyncadd.s32 $0xFFFFFFFF  }
0xa5: {  	s26 =	simm.s32 $execute0_lowered;
	[smem:$0x3FD2] =	sst s25  }
0xa6: {  	s5 =	sshll.u32 s26, $0x1;
	_ =	strace $0x80000046;
	[dreg:$0x1] =	wrdreg $0xFFFFFFFF  }
0xa7: {  	s28 =	simm.s32 $_size_execute0_lowered;
	s3 =	sadd.s32 s3, s5;
	[dreg:$0x0] =	wrdreg $0x0  }
0xa8: {  	s5 =	sshll.u32 s28, $0x1;
	[dreg:$0x2] =	wrdreg s3  }
0xa9: {  	[dreg:$0x3] =	wrdreg s5  }
0xaa: {  	[dreg:$0x4] =	wrdreg $0xC0  }
0xab: {  	_ =	task [dreg:s7], $0x5FFFF  }
0xac: {  	[dreg:$0x1] =	wrdreg $0xFFFFFFFF  }
0xad: {  	[dreg:$0x0] =	wrdreg $0x60  }
0xae: {  	[dreg:$0x2] =	wrdreg s24  }
0xaf: {  	[dreg:$0x3] =	wrdreg s2  }
0xb0: {  	[dreg:$0x4] =	wrdreg $0x0  }
0xb1: {  	[dreg:$0x5] =	wrdreg $0x9  }
0xb2: {  	_ =	task.clear_ibuf [dreg:s7], $0x6FFFF;
	_ =	strace $0x90000046  }
0xb3: {  	s29 =	simm.s32 $0x9;
	_ =	strace $0x80000048  }
0xb4: {  	_ =	swait.ge [sflag:s29], $0x1  }
0xb5: {  	[sflag:s29] =	ssyncadd.s32 $0xFFFFFFFF  }
0xb6: {  	_ =	strace $0x90000048  }
0xb7: {  	_ =	sfence  }
0xb8: {  	s30 =	sld [smem:$0x0];
	_ =	sdelay $0x2  }
0xb9: {  	s31 =	sshll.u32 s1, $0xD;
	s1 =	sshrl.u32 s1, $0x2  }
0xba: {  	s3 =	sand.u32 $0x4000, s31;
	s1 =	sadd.s32 s1, s30  }
0xbb: {  	s0 =	sor.u32 s3, s0;
	s1 =	sshll.u32 s1, $0x11  }
0xbc: {  	s0 =	sor.u32 s1, s0  }
0xbd: {  	s0 =	sadd.s32 $0x8F2B, s0  }
0xbe: {  	[sflag:s0] =	ssyncadd.remote.s32 $0x1  }
0xbf: {  	_ =	sfence.sel $0xFFFF  }
0xc0: {  	[dreg:$0x0] =	wrdreg $0xFFFFFFFF;
	(pc) =	sbr.abs _section_cstart, $3  }
0xc1: {  	[dreg:$0x1] =	wrdreg $0xFFFFFFFF  }
0xc2: {  	_ =	task.clear_ibuf [dreg:s7], $0x2FFFF;
	_ =	strace $0x9FFFFFFF  }
0xc3: {  	(tm) =	ssettm $0x7FFFFFFF  }
tec
execute0_lowered:
.L_overlay_start_1:
0x0: {  	(tag) =	ssettag $0x1  }
0x1: {  	s5 =	rddreg [dreg:$0x0];
	s1 =	srdreg.scid  }
0x2: {  	s0 =	stileid.u32;
	s2 =	rddreg [dreg:$0x1]  }
0x3: {  	s3 =	rddreg [dreg:$0x2];
	s4 =	simm.s32 $0x0;
	s7 =	smul.u32 $0x5000, s0  }
0x4: {  	s6 =	sand.u32 $0x1, s1;
	s1 =	rddreg [dreg:$0x3];
	s28 =	smul.u32 $0x280, s0  }
0x5: {  	s13 =	simm.s32 $0x80;
	[smem:$0x7FF] =	sst s4;
	s8 =	smul.u32 $0x2800, s6  }
0x6: {  	s31 =	sshll.u32 s0, $0x6;
	s9 =	smul.u32 $0x500, s6;
	s6 =	ssub.s32 $0x2, s6  }
0x7: {  	_ =	strace $0x80000047;
	s14 =	sshrl.u32 s28, $0x3;
	s30 =	sshrl.u32 s6, $0x1  }
0x8: {  	s12 =	sadd.s32 s28, s3;
	s7 =	sadd.s32 s8, s7;
	s29 =	sadd.s32 s14, s5  }
0x9: {  	s9 =	sadd.s32 s9, s5;
	s11 =	ssub.s32 s6, s30;
	s6 =	sor.u32 $0x1C01, s31  }
0xa: {  	s7 =	sshrl.u32 s7, $0x3;
	s15 =	sadd.s32 $0xC400, s9;
	s9 =	sshrl.u32 s12, $0x3  }
0xb: {  	s12 =	simm.s32 $0x280;
	s10 =	sadd.s32 s7, s5;
	s5 =	sadd.s32 $0xBE00, s29  }
0xc: {  	s7 =	smax.u32 s11, $0x1;
	s11 =	simm.s32 $0x300;
	s14 =	sadd.s32 s14, s15  }
0xd: {  	s15 =	simm.s32 $0x0;
	s8 =	sadd.s32 $0x1E00, s10;
	s10 =	simm.s32 $0x1  }
.LBB2_1:
0xe: {  	[spmem:s9], [sflag:s6] =	dma.local [hbm:s5], $0x50  }
0xf: {  	_ =	swait.ge [sflag:s10], $0x50  }
0x10: {  	[sflag:s10] =	ssyncset.done $0x0  }
0x11: {  	[sflag:s10] =	ssyncadd.s32 $0xFFFFFFB0  }
0x12: {  	[tilespmem:s11], [sflag:$0x1] =	stream.linear.gather [hbm4b:s2+s4], $0x80, $0x38;
	[tilespmem:$0x380] =	vst v63  }
0x13: {  	_ =	swait.ge [sflag:s10], $0x80  }
0x14: {  	[sflag:s10] =	ssyncset.done $0x0  }
0x15: {  	[sflag:s10] =	ssyncadd.s32 $0xFFFFFF80  }
0x16: {  	s16 =	sadd.s32 $0x0, s8;
	[bflag:$0x0] =	sbarrier.arrive $0xFFFF  }
0x17: {  	[tilespmem:s12], [sflag:$0x1] =	stream.linear.gather [hbm4b:s16+s4], $0x80, $0x38;
	[tilespmem:$0x380] =	vst v63  }
0x18: {  	_ =	swait.ge [sflag:s10], $0x80  }
0x19: {  	[sflag:s10] =	ssyncset.done $0x0  }
0x1a: {  	[sflag:s10] =	ssyncadd.s32 $0xFFFFFF80  }
0x1b: {  	[spmem:s3] =	stream.indirect.scatter.add.f32 [tilespmem:s11], [sflag:$0x1], $0x1, s12, s13, $0xb8;
	[tilespmem:$0x380] =	vst v63  }
0x1c: {  	_ =	swait.ge [sflag:s10], $0x80  }
0x1d: {  	s17 =	simm.s32 $0x20;
	s16 =	simm.s32 $0x10;
	[sflag:s10] =	ssyncset.done $0x0  }
.LBB2_2:
0x1e: {  	s18 =	sadd.s32 s16, s8  }
0x1f: {  	[sflag:s10] =	ssyncadd.s32 $0xFFFFFF80;
	s16 =	smov.u32 s17;
	s19 =	sadd.s32 $0x10, s17  }
0x20: {  	[tilespmem:s12], [sflag:$0x1] =	stream.linear.gather [hbm4b:s18+s4], $0x80, $0x38;
	[tilespmem:$0x380] =	vst v63  }
0x21: {  	p0 =	sne.s32 s17, $0x4F0;
	_ =	swait.ge [sflag:s10], $0x80  }
.Ltmp0:
0x22: {  	[sflag:s10] =	ssyncset.done $0x0;
	(pc) =	sbr.rel @p0 .LBB2_2-.Ltmp0, $4  }
0x23: {  	[sflag:s10] =	ssyncadd.s32 $0xFFFFFF80  }
0x24: {  	[spmem:s3] =	stream.indirect.scatter.add.f32 [tilespmem:s11], [sflag:$0x1], $0x1, s12, s13, $0xb8;
	[tilespmem:$0x380] =	vst v63  }
0x25: {  	_ =	swait.ge [sflag:s10], $0x80  }
0x26: {  	s17 =	smov.u32 s19;
	[sflag:s10] =	ssyncset.done $0x0  }
0x27: {  	s16 =	sadd.s32 s16, s8;
	[sflag:s10] =	ssyncadd.s32 $0xFFFFFF80  }
0x28: {  	[tilespmem:s12], [sflag:$0x1] =	stream.linear.gather [hbm4b:s16+s4], $0x80, $0x38;
	[tilespmem:$0x380] =	vst v63  }
0x29: {  	_ =	swait.ge [sflag:s10], $0x80  }
0x2a: {  	[sflag:s10] =	ssyncset.done $0x0  }
0x2b: {  	[sflag:s10] =	ssyncadd.s32 $0xFFFFFF80  }
0x2c: {  	[spmem:s3] =	stream.indirect.scatter.add.f32 [tilespmem:s11], [sflag:$0x1], $0x1, s12, s13, $0xb8;
	[tilespmem:$0x380] =	vst v63  }
0x2d: {  	_ =	swait.ge [sflag:s10], $0x80  }
0x2e: {  	s15 =	sadd.s32 $0x1, s15;
	[sflag:s10] =	ssyncset.done $0x0  }
0x2f: {  	p0 =	sne.s32 s15, s7;
	[sflag:s10] =	ssyncadd.s32 $0xFFFFFF80  }
.Ltmp1:
0x30: {  	[bflag:$0x0] =	sbarrier.arrive $0xFFFF;
	(pc) =	sbr.rel @p0 .LBB2_1-.Ltmp1, $4  }
0x31: {  	[hbm:s14], [sflag:s6] =	dma.local [spmem:s9], $0x50  }
0x32: {  	_ =	swait.ge [sflag:s10], $0x50  }
0x33: {  	[sflag:s10] =	ssyncset.done $0x0  }
0x34: {  	[sflag:s10] =	ssyncadd.s32 $0xFFFFFFB0  }
0x35: {  	_ =	sfence.sel $0x180000  }
0x36: {  	[bflag:$0x0] =	sbarrier.arrive $0xFFFF  }
0x37: {  	p0 =	sne.s32 s0, $0x0;
	_ =	strace $0x90000047  }
0x38: {  	s0 =	sadd.s32 @!p0 $0x100000, s1;
	[bflag:$0x2] =	sbarrier.arrive $0xFFFF  }
0x39: {  	[sflag:s0] =	ssyncadd.tile.s32 @!p0 $0x1;
	_ =	shalt  }
.Lfunc_end2:
_tile_overlayer_lowered:
.L_overlay_start_2:
0x3a: {  	(tag) =	ssettag $0x2  }
0x3b: {  	s0 =	rddreg [dreg:$0x0];
	s2 =	stileid.u32  }
0x3c: {  	s1 =	rddreg [dreg:$0x1];
	p0 =	sne.s32 s2, $0x0  }
0x3d: {  	s3 =	rddreg [dreg:$0x2];
	[bflag:$0x3] =	sbarrier.arrive $0xFFFF;
	s2 =	simm.s32 @!p0 $0x1C01  }
0x3e: {  	[timem:s3], [sflag:s2] =	dma.local @!p0 [hbm:s0], s1  }
0x3f: {  	s0 =	simm.s32 @!p0 $0x1  }
0x40: {  	_ =	swait.ge @!p0 [sflag:s0], s1  }
0x41: {  	s1 =	ssub.s32 @!p0 $0x0, s1;
	[sflag:s0] =	ssyncset.done @!p0 $0x0  }
0x42: {  	[sflag:s0] =	ssyncadd.s32 @!p0 s1  }
0x43: {  	[bflag:$0x3] =	sbarrier.arrive $0xFFFF  }
0x44: {  	_ =	shalt  }

// kernel: kernel.13.cloned.1.call-start
scs
__scs_entry_jumppad:
0x0: {  	(pc) =	sbr.rel $0x88, $3  }
0x1: {  	(tag) =	ssettag $0x0;
	lr =	simm.s32 $0x1  }
0x2: {  	[smem:$0x3F94] =	sst lr;
	_ =	strace $0xD0000000  }
0x3: {  	_ = 	snop  }
0x4: {  	_ = 	snop  }
0x5: {  	_ = 	snop  }
0x6: {  	_ = 	snop  }
0x7: {  	_ = 	snop  }
__scs_overlays_trampoline_lowered:
0x8: {  	[smem:$0x3FA3] =	sst s0  }
0x9: {  	[smem:$0x3FA4] =	sst s1  }
0xa: {  	[smem:$0x3FA5] =	sst s2  }
0xb: {  	[smem:$0x3FA6] =	sst s3  }
0xc: {  	[smem:$0x3FA7] =	sst s4  }
0xd: {  	[smem:$0x3FA8] =	sst s5  }
0xe: {  	[smem:$0x3FA9] =	sst s6  }
0xf: {  	[smem:$0x3FAA] =	sst s7  }
0x10: {  	[smem:$0x3FAB] =	sst s8  }
0x11: {  	[smem:$0x3FAC] =	sst s9;
	s0 =	simm.s32 @!p0 $0x0  }
0x12: {  	s1 =	sld [smem:$0x3F92];
	s0 =	simm.s32 @p0 $0x1  }
0x13: {  	[smem:$0x3FAD] =	sst s0;
	s0 =	simm.s32 @!p1 $0x0  }
0x14: {  	s2 =	sld [smem:$0x3F91];
	s0 =	simm.s32 @p1 $0x1  }
0x15: {  	[smem:$0x3FAE] =	sst s0;
	s0 =	simm.s32 @!p2 $0x0  }
0x16: {  	s3 =	sld [smem:$0x3FDB];
	s0 =	simm.s32 @p2 $0x1  }
0x17: {  	s4 =	simm.s32 $0x1BF5;
	[smem:$0x3FB0] =	sst s0  }
0x18: {  	s0 =	sld [smem:$0x3F93];
	_ =	swait.ge [sflag:s4], $0x0  }
0x19: {  	s7 =	sld [smem:$0x3F94]  }
0x1a: {  	s8 =	sadd.s32 $0xFFFFE003, lr  }
0x1b: {  	s9 =	sadd.s32 $0xFFFFFEF7, lr;
	s5 =	simm.s32 $0xFFFFFFFF;
	p2 =	slt.u32 s8, $0xFFFFF086  }
0x1c: {  	p1 =	slt.u32 s9, $0xF7A;
	s5 =	simm.s32 @!p2 $0x0  }
0x1d: {  	s5 =	simm.s32 @p1 $0x1;
	p0 =	seq.s32 s7, s2  }
0x1e: {  	s7 =	smul.u32 @!p0 $0xF7A, s2;
	p2 =	seq.s32 @!p0 s5, $0x0  }
0x1f: {  	s9 =	smul.u32 $0xF7A, s1;
	s8 =	simm.s32 @!p0 $0x1BF5;
	p2 =	por !p2, p0  }
0x20: {  	[sflag:s8] =	ssyncset.s32 @!p0 $0xFFFFF086;
	s6 =	sadd.s32 @!p0 s3, s7;
	s7 =	simm.s32 @!p0 $0x108  }
0x21: {  	s3 =	sadd.s32 s3, s9;
	s6 =	sadd.s32 @!p0 $0x88, s6;
	s7 =	simm.s32 @p2 $0x1082  }
0x22: {  	[simem:s7], [sflag:s8] =	dma.local @!p0 [hbm:s6], $0xF7A  }
0x23: {  	s9 =	sor.u32 $0xD0000000, s2;
	s6 =	simm.s32 $0x108;
	_ =	swait.ge @!p0 [sflag:s8], $0x0  }
0x24: {  	s3 =	sadd.s32 $0x88, s3;
	s6 =	simm.s32 @!p1 $0x1082;
	[sflag:s4] =	ssyncset.s32 $0xFFFFF086  }
0x25: {  	[simem:s6], [sflag:s4] =	dma.local [hbm:s3], $0xF7A  }
0x26: {  	[smem:$0x3F94] =	sst s1;
	(tag) =	ssettag s2;
	_ =	strace s9  }
0x27: {  	s1 =	sld [smem:$0x3FA4]  }
0x28: {  	s2 =	sld [smem:$0x3FA5]  }
0x29: {  	s4 =	sld [smem:$0x3FA7]  }
0x2a: {  	p0 =	seq.s32 s5, $0x0;
	s5 =	sld [smem:$0x3FA8]  }
0x2b: {  	s6 =	sld [smem:$0x3FA9]  }
0x2c: {  	s7 =	sld [smem:$0x3FAA]  }
0x2d: {  	s3 =	simm.s32 $0x108;
	s8 =	sld [smem:$0x3FAB]  }
0x2e: {  	s3 =	simm.s32 @!p0 $0x1082;
	s9 =	sld [smem:$0x3FAC]  }
0x2f: {  	lr =	sadd.s32 s0, s3;
	s0 =	sld [smem:$0x3FA3]  }
0x30: {  	s3 =	sld [smem:$0x3FA6]  }
0x31: {  	[smem:$0x3FAF] =	sst s10  }
0x32: {  	s10 =	sld [smem:$0x3FAD];
	_ =	sdelay $0x3  }
0x33: {  	p0 =	seq.s32 s10, $0x1;
	s10 =	sld [smem:$0x3FAF];
	_ =	sdelay $0x3  }
0x34: {  	[smem:$0x3FAF] =	sst s10  }
0x35: {  	s10 =	sld [smem:$0x3FAE];
	_ =	sdelay $0x3  }
0x36: {  	p1 =	seq.s32 s10, $0x1;
	s10 =	sld [smem:$0x3FAF];
	_ =	sdelay $0x3  }
0x37: {  	[smem:$0x3FAF] =	sst s10  }
0x38: {  	s10 =	sld [smem:$0x3FB0]  }
0x39: {  	_ = 	snop;
	(pc) =	sbr.ind lr, $3  }
0x3a: {  	_ = 	snop  }
0x3b: {  	_ = 	snop  }
0x3c: {  	p2 =	seq.s32 s10, $0x1;
	s10 =	sld [smem:$0x3FAF]  }
0x3d: {  	_ =	shalt  }
0x3e: {  	_ =	shalt  }
0x3f: {  	_ =	shalt  }
0x40: {  	_ =	shalt  }
0x41: {  	_ =	shalt  }
0x42: {  	_ =	shalt  }
0x43: {  	_ =	shalt  }
0x44: {  	_ =	shalt  }
0x45: {  	_ =	shalt  }
0x46: {  	_ =	shalt  }
0x47: {  	_ =	shalt  }
0x48: {  	_ =	shalt  }
0x49: {  	_ =	shalt  }
0x4a: {  	_ =	shalt  }
0x4b: {  	_ =	shalt  }
0x4c: {  	_ =	shalt  }
0x4d: {  	_ =	shalt  }
0x4e: {  	_ =	shalt  }
0x4f: {  	_ =	shalt  }
0x50: {  	_ =	shalt  }
0x51: {  	_ =	shalt  }
0x52: {  	_ =	shalt  }
0x53: {  	_ =	shalt  }
0x54: {  	_ =	shalt  }
0x55: {  	_ =	shalt  }
0x56: {  	_ =	shalt  }
0x57: {  	_ =	shalt  }
0x58: {  	_ =	shalt  }
0x59: {  	_ =	shalt  }
0x5a: {  	_ =	shalt  }
0x5b: {  	_ =	shalt  }
0x5c: {  	_ =	shalt  }
0x5d: {  	_ =	shalt  }
0x5e: {  	_ =	shalt  }
0x5f: {  	_ =	shalt  }
0x60: {  	_ =	shalt  }
0x61: {  	_ =	shalt  }
0x62: {  	_ =	shalt  }
0x63: {  	_ =	shalt  }
0x64: {  	_ =	shalt  }
0x65: {  	_ =	shalt  }
0x66: {  	_ =	shalt  }
0x67: {  	_ =	shalt  }
0x68: {  	_ =	shalt  }
0x69: {  	_ =	shalt  }
0x6a: {  	_ =	shalt  }
0x6b: {  	_ =	shalt  }
0x6c: {  	_ =	shalt  }
0x6d: {  	_ =	shalt  }
0x6e: {  	_ =	shalt  }
0x6f: {  	_ =	shalt  }
0x70: {  	_ =	shalt  }
0x71: {  	_ =	shalt  }
0x72: {  	_ =	shalt  }
0x73: {  	_ =	shalt  }
0x74: {  	_ =	shalt  }
0x75: {  	_ =	shalt  }
0x76: {  	_ =	shalt  }
0x77: {  	_ =	shalt  }
0x78: {  	_ =	shalt  }
0x79: {  	_ =	shalt  }
0x7a: {  	_ =	shalt  }
0x7b: {  	_ =	shalt  }
0x7c: {  	_ =	shalt  }
0x7d: {  	_ =	shalt  }
0x7e: {  	_ =	shalt  }
0x7f: {  	_ =	shalt  }
0x80: {  	_ =	shalt  }
0x81: {  	_ =	shalt  }
0x82: {  	_ =	shalt  }
0x83: {  	_ =	shalt  }
0x84: {  	_ =	shalt  }
0x85: {  	_ =	shalt  }
0x86: {  	_ =	shalt  }
0x87: {  	_ =	shalt  }
.Lfunc_end0:
.L_simem_size_0:
called_computation.1_lowered:
.L_overlay_start_0:
0x88: {  	s2 =	sld [smem:$0x3FD9]  }
0x89: {  	s3 =	sld [smem:$0x3FFE];
	_ =	sdelay $0x1  }
0x8a: {  	s1 =	srdreg.scid  }
0x8b: {  	s0 =	sand.u32 $0x1, s1  }
0x8c: {  	s16 =	sshll.u32 s0, $0xA;
	s2 =	sadd.s32 s3, s2  }
0x8d: {  	s2 =	sadd.s32 s2, s16  }
0x8e: {  	[smem:$0x3FBB] =	sst s2  }
0x8f: {  	_ = 	snop  }
0x90: {  	(tm) =	ssettm $0x1  }
0x91: {  	s17 =	sld [smem:$0x3FFB];
	_ =	sdelay $0x3  }
0x92: {  	_ =	strace s17  }
0x93: {  	s2 =	sld [smem:$0x3FFC];
	_ =	sdelay $0x3  }
0x94: {  	_ =	strace s2  }
0x95: {  	s2 =	sld [smem:$0x3FFD];
	_ =	sdelay $0x3  }
0x96: {  	_ =	strace s2  }
0x97: {  	_ =	strace $0x8FFFFFFF  }
0x98: {  	s18 =	sld [smem:$0x3FDB];
	_ =	sdelay $0x1  }
0x99: {  	s19 =	simm.s32 $_scs_section_size  }
0x9a: {  	s4 =	simm.s32 $_size__tile_overlayer_lowered;
	s5 =	simm.s32 $_tile_overlayer_lowered  }
0x9b: {  	s22 =	simm.s32 $0x1BFF;
	s21 =	sshll.u32 s5, $0x1;
	s2 =	sadd.s32 s19, s18  }
0x9c: {  	s6 =	simm.s32 $0x0;
	s20 =	sshll.u32 s4, $0x1;
	s4 =	sadd.s32 s21, s2  }
0x9d: {  	[timem:s6], [sflag:s22] =	dma.local [hbm:s4], s20  }
0x9e: {  	_ =	swait.ge [sflag:s22], s20  }
0x9f: {  	s3 =	ssub.s32 $0x0, s20;
	[sflag:s22] =	ssyncset.done $0x0  }
0xa0: {  	[sflag:s22] =	ssyncadd.s32 s3;
	_ =	sdelay $0x1  }
0xa1: {  	s23 =	simm.s32 $0x1B8B  }
0xa2: {  	_ =	swait.ge [sflag:s23], $0x1  }
0xa3: {  	[sflag:s23] =	ssyncset.done $0x0  }
0xa4: {  	s25 =	simm.s32 $0x1B8E;
	s24 =	sld [smem:$0x3FFE];
	[sflag:s23] =	ssyncadd.s32 $0xFFFFFFFF  }
0xa5: {  	s26 =	simm.s32 $execute0_lowered;
	[smem:$0x3FD2] =	sst s25  }
0xa6: {  	s4 =	sshll.u32 s26, $0x1;
	_ =	strace $0x80000049;
	[dreg:$0x1] =	wrdreg $0xFFFFFFFF  }
0xa7: {  	s28 =	simm.s32 $_size_execute0_lowered;
	s2 =	sadd.s32 s2, s4;
	[dreg:$0x0] =	wrdreg $0x0  }
0xa8: {  	s4 =	sshll.u32 s28, $0x1;
	[dreg:$0x2] =	wrdreg s2  }
0xa9: {  	[dreg:$0x3] =	wrdreg s4  }
0xaa: {  	[dreg:$0x4] =	wrdreg $0xC0  }
0xab: {  	_ =	task [dreg:s6], $0x5FFFF  }
0xac: {  	[dreg:$0x1] =	wrdreg $0xFFFFFFFF  }
0xad: {  	[dreg:$0x0] =	wrdreg $0x60  }
0xae: {  	[dreg:$0x2] =	wrdreg s24  }
0xaf: {  	[dreg:$0x3] =	wrdreg $0x0  }
0xb0: {  	[dreg:$0x4] =	wrdreg $0x9  }
0xb1: {  	_ =	task.clear_ibuf [dreg:s6], $0x5FFFF;
	_ =	strace $0x90000049  }
0xb2: {  	s29 =	simm.s32 $0x9;
	_ =	strace $0x8000004B  }
0xb3: {  	_ =	swait.ge [sflag:s29], $0x1  }
0xb4: {  	[sflag:s29] =	ssyncadd.s32 $0xFFFFFFFF  }
0xb5: {  	_ =	strace $0x9000004B  }
0xb6: {  	_ =	sfence  }
0xb7: {  	s30 =	sld [smem:$0x0];
	_ =	sdelay $0x2  }
0xb8: {  	s31 =	sshll.u32 s1, $0xD;
	s1 =	sshrl.u32 s1, $0x2  }
0xb9: {  	s3 =	sand.u32 $0x4000, s31;
	s1 =	sadd.s32 s1, s30  }
0xba: {  	s0 =	sor.u32 s3, s0;
	s1 =	sshll.u32 s1, $0x11  }
0xbb: {  	s0 =	sor.u32 s1, s0  }
0xbc: {  	s0 =	sadd.s32 $0x8F2B, s0  }
0xbd: {  	[sflag:s0] =	ssyncadd.remote.s32 $0x1  }
0xbe: {  	_ =	sfence.sel $0xFFFF  }
0xbf: {  	[dreg:$0x0] =	wrdreg $0xFFFFFFFF;
	(pc) =	sbr.abs _section_cstart, $3  }
0xc0: {  	[dreg:$0x1] =	wrdreg $0xFFFFFFFF  }
0xc1: {  	_ =	task.clear_ibuf [dreg:s6], $0x2FFFF;
	_ =	strace $0x9FFFFFFF  }
0xc2: {  	(tm) =	ssettm $0x7FFFFFFF  }
0xc3: {  	_ =	shalt  }
tec
execute0_lowered:
.L_overlay_start_1:
0x0: {  	(tag) =	ssettag $0x1  }
0x1: {  	s5 =	rddreg [dreg:$0x0]  }
0x2: {  	s2 =	rddreg [dreg:$0x1]  }
0x3: {  	s0 =	rddreg [dreg:$0x2]  }
0x4: {  	s4 =	srdreg.scid;
	s1 =	stileid.u32;
	s3 =	simm.s32 $0x0  }
0x5: {  	s13 =	simm.s32 $0x7800;
	s14 =	simm.s32 $0x80;
	s15 =	simm.s32 $0xA000  }
0x6: {  	s16 =	simm.s32 $0x1;
	s17 =	simm.s32 $0x5080;
	s18 =	simm.s32 $0xB000  }
0x7: {  	s19 =	simm.s32 $0x2;
	s20 =	simm.s32 $0x7880;
	s21 =	simm.s32 $0x3  }
0x8: {  	s22 =	simm.s32 $0x5100;
	s23 =	simm.s32 $0x4;
	s6 =	sand.u32 $0x1, s4  }
0x9: {  	s28 =	sshll.u32 s1, $0x1;
	[smem:$0x7FF] =	sst s3;
	s8 =	smul.u32 $0xA000, s1  }
0xa: {  	s4 =	sadd.s32 $0x20E00, s5;
	s31 =	sshll.u32 s1, $0x6;
	s7 =	sor.u32 s6, s28  }
0xb: {  	_ =	strace $0x8000004A;
	s9 =	smul.u32 $0xA000, s6;
	s6 =	ssub.s32 $0x2, s6  }
0xc: {  	s7 =	smul.u32 $0x500, s7;
	s24 =	sshrl.u32 s8, $0x4;
	s11 =	sshrl.u32 s6, $0x1  }
0xd: {  	s30 =	sshrl.u32 s8, $0x1;
	s29 =	sadd.s32 s24, s5;
	s9 =	sadd.s32 s9, s5  }
.Ltmp0:
0xe: {  	s11 =	ssub.s32 s6, s11;
	s12 =	sadd.s32 s30, s2;
	(pc) =	sbr.rel .LBB2_1-.Ltmp0, $4  }
0xf: {  	s6 =	sor.u32 $0x1C05, s31;
	s10 =	sadd.s32 s7, s5;
	s5 =	sadd.s32 $0x16E00, s29  }
0x10: {  	s25 =	sadd.s32 $0x2AE00, s9;
	s9 =	smax.u32 s11, $0x1;
	s11 =	simm.s32 $0x5  }
0x11: {  	s7 =	sadd.s32 $0xCE00, s10;
	s8 =	sadd.s32 $0x1E00, s10;
	s10 =	sshrl.u32 s12, $0x3  }
0x12: {  	s12 =	simm.s32 $0x5000;
	s24 =	sadd.s32 s24, s25;
	s25 =	simm.s32 $0x0  }
.LBB2_4:
0x13: {  	_ =	swait.ge [sflag:s23], $0x1000  }
0x14: {  	s25 =	sadd.s32 $0x1, s25;
	[sflag:s23] =	ssyncset.done $0x0  }
0x15: {  	p0 =	sne.s32 s25, s9;
	[sflag:s23] =	ssyncadd.s32 $0xFFFFF000  }
.Ltmp1:
0x16: {  	[bflag:$0x0] =	sbarrier.arrive $0xFFFF;
	(pc) =	sbr.rel @!p0 .LBB2_5-.Ltmp1, $4  }
0x17: {  	[hbm:s24], [sflag:s6] =	dma.local [spmem:s10], $0xA00  }
0x18: {  	_ =	swait.ge [sflag:s11], $0xA00  }
0x19: {  	[sflag:s11] =	ssyncset.done $0x0  }
0x1a: {  	[sflag:s11] =	ssyncadd.s32 $0xFFFFF600  }
.LBB2_1:
0x1b: {  	[spmem:s10], [sflag:s6] =	dma.local [hbm:s5], $0xA00  }
0x1c: {  	_ =	swait.ge [sflag:s11], $0xA00  }
0x1d: {  	[sflag:s11] =	ssyncset.done $0x0  }
0x1e: {  	[sflag:s11] =	ssyncadd.s32 $0xFFFFF600  }
0x1f: {  	[tilespmem:s12], [sflag:$0x5] =	stream.linear.gather [hbm4b:s7+s3], $0x2800, $0x38;
	[tilespmem:$0xC000] =	vst v63  }
0x20: {  	_ =	swait.ge [sflag:s11], $0x2800  }
0x21: {  	[sflag:s11] =	ssyncset.done $0x0  }
0x22: {  	[sflag:s11] =	ssyncadd.s32 $0xFFFFD800  }
0x23: {  	[tilespmem:s13], [sflag:$0x5] =	stream.linear.gather [hbm4b:s8+s3], $0x2800, $0x38;
	[tilespmem:$0xC000] =	vst v63  }
0x24: {  	_ =	swait.ge [sflag:s11], $0x2800  }
0x25: {  	[sflag:s11] =	ssyncset.done $0x0  }
0x26: {  	[sflag:s11] =	ssyncadd.s32 $0xFFFFD800  }
0x27: {  	[bflag:$0x0] =	sbarrier.arrive $0xFFFF  }
0x28: {  	[tilespmem:s15], [sflag:$0x1] =	stream.indirect.gather [hbm4b:s4+s14], $0x20, s12, s14, $0xb8;
	[tilespmem:$0xC000] =	vst v63  }
0x29: {  	_ =	swait.ge [sflag:s16], $0x1000  }
0x2a: {  	[sflag:s16] =	ssyncset.done $0x0  }
0x2b: {  	[sflag:s16] =	ssyncadd.s32 $0xFFFFF000  }
0x2c: {  	[spmem:s2] =	stream.indirect.scatter.add.bf16 [tilespmem:s15], [sflag:$0x3], $0x20, s13, s14, $0xb8;
	[tilespmem:$0xC000] =	vst v63  }
0x2d: {  	_ = 	snop  }
0x2e: {  	[tilespmem:s18], [sflag:$0x2] =	stream.indirect.gather [hbm4b:s4+s14], $0x20, s17, s14, $0xb8;
	[tilespmem:$0xC000] =	vst v63  }
0x2f: {  	_ =	swait.ge [sflag:s19], $0x1000  }
0x30: {  	[sflag:s19] =	ssyncset.done $0x0  }
0x31: {  	[sflag:s19] =	ssyncadd.s32 $0xFFFFF000  }
0x32: {  	[spmem:s2] =	stream.indirect.scatter.add.bf16 [tilespmem:s18], [sflag:$0x4], $0x20, s20, s14, $0xb8;
	[tilespmem:$0xC000] =	vst v63  }
0x33: {  	_ =	swait.ge [sflag:s21], $0x1000  }
0x34: {  	[sflag:s21] =	ssyncset.done $0x0  }
0x35: {  	s26 =	simm.s32 $0xFFFF6800;
	[sflag:s21] =	ssyncadd.s32 $0xFFFFF000  }
0x36: {  	[tilespmem:s15], [sflag:$0x1] =	stream.indirect.gather [hbm4b:s4+s14], $0x20, s22, s14, $0xb8;
	[tilespmem:$0xC000] =	vst v63  }
.LBB2_2:
0x37: {  	_ =	swait.ge [sflag:s16], $0x1000  }
0x38: {  	s28 =	sshra.s32 s26, $0x2;
	[sflag:s16] =	ssyncset.done $0x0  }
0x39: {  	s29 =	sadd.s32 $0x9F00, s28;
	[sflag:s16] =	ssyncadd.s32 $0xFFFFF000  }
0x3a: {  	[spmem:s2] =	stream.indirect.scatter.add.bf16 [tilespmem:s15], [sflag:$0x3], $0x20, s29, s14, $0xb8;
	[tilespmem:$0xC000] =	vst v63  }
0x3b: {  	_ =	swait.ge [sflag:s23], $0x1000  }
0x3c: {  	[sflag:s23] =	ssyncset.done $0x0  }
0x3d: {  	s30 =	sadd.s32 $0x7780, s28;
	[sflag:s23] =	ssyncadd.s32 $0xFFFFF000  }
0x3e: {  	[tilespmem:s18], [sflag:$0x2] =	stream.indirect.gather [hbm4b:s4+s14], $0x20, s30, s14, $0xb8;
	[tilespmem:$0xC000] =	vst v63  }
0x3f: {  	_ =	swait.ge [sflag:s19], $0x1000  }
0x40: {  	p0 =	seq.s32 s26, $0x0;
	[sflag:s19] =	ssyncset.done $0x0  }
.Ltmp2:
0x41: {  	s31 =	sadd.s32 $0x9F80, s28;
	[sflag:s19] =	ssyncadd.s32 $0xFFFFF000;
	(pc) =	sbr.rel @p0 .LBB2_4-.Ltmp2, $4  }
0x42: {  	[spmem:s2] =	stream.indirect.scatter.add.bf16 [tilespmem:s18], [sflag:$0x4], $0x20, s31, s14, $0xb8;
	[tilespmem:$0xC000] =	vst v63  }
0x43: {  	_ =	swait.ge [sflag:s21], $0x1000  }
0x44: {  	[sflag:s21] =	ssyncset.done $0x0  }
0x45: {  	[sflag:s21] =	ssyncadd.s32 $0xFFFFF000  }
.Ltmp3:
0x46: {  	(pc) =	sbr.rel .LBB2_2-.Ltmp3, $3  }
0x47: {  	_ =	sdelay $0x1  }
0x48: {  	s28 =	sadd.s32 $0x7800, s28;
	s26 =	sadd.s32 $0x400, s26  }
0x49: {  	[tilespmem:s15], [sflag:$0x1] =	stream.indirect.gather [hbm4b:s4+s14], $0x20, s28, s14, $0xb8;
	[tilespmem:$0xC000] =	vst v63  }
.LBB2_5:
0x4a: {  	_ =	sfence.sel $0x180000  }
0x4b: {  	[bflag:$0x0] =	sbarrier.arrive $0xFFFF  }
0x4c: {  	p0 =	sne.s32 s1, $0x0;
	_ =	strace $0x9000004A  }
0x4d: {  	s0 =	sadd.s32 @!p0 $0x100000, s0;
	[bflag:$0x2] =	sbarrier.arrive $0xFFFF  }
0x4e: {  	[sflag:s0] =	ssyncadd.tile.s32 @!p0 $0x1;
	_ =	shalt  }
.Lfunc_end2:
_tile_overlayer_lowered:
.L_overlay_start_2:
0x4f: {  	(tag) =	ssettag $0x2  }
0x50: {  	s0 =	rddreg [dreg:$0x0];
	s2 =	stileid.u32  }
0x51: {  	s1 =	rddreg [dreg:$0x1];
	p0 =	sne.s32 s2, $0x0  }
0x52: {  	s3 =	rddreg [dreg:$0x2];
	[bflag:$0x3] =	sbarrier.arrive $0xFFFF;
	s2 =	simm.s32 @!p0 $0x1C05  }
0x53: {  	[timem:s3], [sflag:s2] =	dma.local @!p0 [hbm:s0], s1  }
0x54: {  	s0 =	simm.s32 @!p0 $0x5  }
0x55: {  	_ =	swait.ge @!p0 [sflag:s0], s1  }
0x56: {  	s1 =	ssub.s32 @!p0 $0x0, s1;
	[sflag:s0] =	ssyncset.done @!p0 $0x0  }
0x57: {  	[sflag:s0] =	ssyncadd.s32 @!p0 s1  }
0x58: {  	[bflag:$0x3] =	sbarrier.arrive $0xFFFF  }
0x59: {  	_ =	shalt  }

// kernel: kernel.16.cloned.1.call-start
scs
__scs_entry_jumppad:
0x0: {  	(pc) =	sbr.rel $0x88, $3  }
0x1: {  	(tag) =	ssettag $0x0;
	lr =	simm.s32 $0x1  }
0x2: {  	[smem:$0x3F94] =	sst lr;
	_ =	strace $0xD0000000  }
0x3: {  	_ = 	snop  }
0x4: {  	_ = 	snop  }
0x5: {  	_ = 	snop  }
0x6: {  	_ = 	snop  }
0x7: {  	_ = 	snop  }
__scs_overlays_trampoline_lowered:
0x8: {  	[smem:$0x3FA3] =	sst s0  }
0x9: {  	[smem:$0x3FA4] =	sst s1  }
0xa: {  	[smem:$0x3FA5] =	sst s2  }
0xb: {  	[smem:$0x3FA6] =	sst s3  }
0xc: {  	[smem:$0x3FA7] =	sst s4  }
0xd: {  	[smem:$0x3FA8] =	sst s5  }
0xe: {  	[smem:$0x3FA9] =	sst s6  }
0xf: {  	[smem:$0x3FAA] =	sst s7  }
0x10: {  	[smem:$0x3FAB] =	sst s8  }
0x11: {  	[smem:$0x3FAC] =	sst s9;
	s0 =	simm.s32 @!p0 $0x0  }
0x12: {  	s1 =	sld [smem:$0x3F92];
	s0 =	simm.s32 @p0 $0x1  }
0x13: {  	[smem:$0x3FAD] =	sst s0;
	s0 =	simm.s32 @!p1 $0x0  }
0x14: {  	s2 =	sld [smem:$0x3F91];
	s0 =	simm.s32 @p1 $0x1  }
0x15: {  	[smem:$0x3FAE] =	sst s0;
	s0 =	simm.s32 @!p2 $0x0  }
0x16: {  	s3 =	sld [smem:$0x3FDB];
	s0 =	simm.s32 @p2 $0x1  }
0x17: {  	s4 =	simm.s32 $0x1BF5;
	[smem:$0x3FB0] =	sst s0  }
0x18: {  	s0 =	sld [smem:$0x3F93];
	_ =	swait.ge [sflag:s4], $0x0  }
0x19: {  	s7 =	sld [smem:$0x3F94]  }
0x1a: {  	s8 =	sadd.s32 $0xFFFFE003, lr  }
0x1b: {  	s9 =	sadd.s32 $0xFFFFFEF7, lr;
	s5 =	simm.s32 $0xFFFFFFFF;
	p2 =	slt.u32 s8, $0xFFFFF086  }
0x1c: {  	p1 =	slt.u32 s9, $0xF7A;
	s5 =	simm.s32 @!p2 $0x0  }
0x1d: {  	s5 =	simm.s32 @p1 $0x1;
	p0 =	seq.s32 s7, s2  }
0x1e: {  	s7 =	smul.u32 @!p0 $0xF7A, s2;
	p2 =	seq.s32 @!p0 s5, $0x0  }
0x1f: {  	s9 =	smul.u32 $0xF7A, s1;
	s8 =	simm.s32 @!p0 $0x1BF5;
	p2 =	por !p2, p0  }
0x20: {  	[sflag:s8] =	ssyncset.s32 @!p0 $0xFFFFF086;
	s6 =	sadd.s32 @!p0 s3, s7;
	s7 =	simm.s32 @!p0 $0x108  }
0x21: {  	s3 =	sadd.s32 s3, s9;
	s6 =	sadd.s32 @!p0 $0x88, s6;
	s7 =	simm.s32 @p2 $0x1082  }
0x22: {  	[simem:s7], [sflag:s8] =	dma.local @!p0 [hbm:s6], $0xF7A  }
0x23: {  	s9 =	sor.u32 $0xD0000000, s2;
	s6 =	simm.s32 $0x108;
	_ =	swait.ge @!p0 [sflag:s8], $0x0  }
0x24: {  	s3 =	sadd.s32 $0x88, s3;
	s6 =	simm.s32 @!p1 $0x1082;
	[sflag:s4] =	ssyncset.s32 $0xFFFFF086  }
0x25: {  	[simem:s6], [sflag:s4] =	dma.local [hbm:s3], $0xF7A  }
0x26: {  	[smem:$0x3F94] =	sst s1;
	(tag) =	ssettag s2;
	_ =	strace s9  }
0x27: {  	s1 =	sld [smem:$0x3FA4]  }
0x28: {  	s2 =	sld [smem:$0x3FA5]  }
0x29: {  	s4 =	sld [smem:$0x3FA7]  }
0x2a: {  	p0 =	seq.s32 s5, $0x0;
	s5 =	sld [smem:$0x3FA8]  }
0x2b: {  	s6 =	sld [smem:$0x3FA9]  }
0x2c: {  	s7 =	sld [smem:$0x3FAA]  }
0x2d: {  	s3 =	simm.s32 $0x108;
	s8 =	sld [smem:$0x3FAB]  }
0x2e: {  	s3 =	simm.s32 @!p0 $0x1082;
	s9 =	sld [smem:$0x3FAC]  }
0x2f: {  	lr =	sadd.s32 s0, s3;
	s0 =	sld [smem:$0x3FA3]  }
0x30: {  	s3 =	sld [smem:$0x3FA6]  }
0x31: {  	[smem:$0x3FAF] =	sst s10  }
0x32: {  	s10 =	sld [smem:$0x3FAD];
	_ =	sdelay $0x3  }
0x33: {  	p0 =	seq.s32 s10, $0x1;
	s10 =	sld [smem:$0x3FAF];
	_ =	sdelay $0x3  }
0x34: {  	[smem:$0x3FAF] =	sst s10  }
0x35: {  	s10 =	sld [smem:$0x3FAE];
	_ =	sdelay $0x3  }
0x36: {  	p1 =	seq.s32 s10, $0x1;
	s10 =	sld [smem:$0x3FAF];
	_ =	sdelay $0x3  }
0x37: {  	[smem:$0x3FAF] =	sst s10  }
0x38: {  	s10 =	sld [smem:$0x3FB0]  }
0x39: {  	_ = 	snop;
	(pc) =	sbr.ind lr, $3  }
0x3a: {  	_ = 	snop  }
0x3b: {  	_ = 	snop  }
0x3c: {  	p2 =	seq.s32 s10, $0x1;
	s10 =	sld [smem:$0x3FAF]  }
0x3d: {  	_ =	shalt  }
0x3e: {  	_ =	shalt  }
0x3f: {  	_ =	shalt  }
0x40: {  	_ =	shalt  }
0x41: {  	_ =	shalt  }
0x42: {  	_ =	shalt  }
0x43: {  	_ =	shalt  }
0x44: {  	_ =	shalt  }
0x45: {  	_ =	shalt  }
0x46: {  	_ =	shalt  }
0x47: {  	_ =	shalt  }
0x48: {  	_ =	shalt  }
0x49: {  	_ =	shalt  }
0x4a: {  	_ =	shalt  }
0x4b: {  	_ =	shalt  }
0x4c: {  	_ =	shalt  }
0x4d: {  	_ =	shalt  }
0x4e: {  	_ =	shalt  }
0x4f: {  	_ =	shalt  }
0x50: {  	_ =	shalt  }
0x51: {  	_ =	shalt  }
0x52: {  	_ =	shalt  }
0x53: {  	_ =	shalt  }
0x54: {  	_ =	shalt  }
0x55: {  	_ =	shalt  }
0x56: {  	_ =	shalt  }
0x57: {  	_ =	shalt  }
0x58: {  	_ =	shalt  }
0x59: {  	_ =	shalt  }
0x5a: {  	_ =	shalt  }
0x5b: {  	_ =	shalt  }
0x5c: {  	_ =	shalt  }
0x5d: {  	_ =	shalt  }
0x5e: {  	_ =	shalt  }
0x5f: {  	_ =	shalt  }
0x60: {  	_ =	shalt  }
0x61: {  	_ =	shalt  }
0x62: {  	_ =	shalt  }
0x63: {  	_ =	shalt  }
0x64: {  	_ =	shalt  }
0x65: {  	_ =	shalt  }
0x66: {  	_ =	shalt  }
0x67: {  	_ =	shalt  }
0x68: {  	_ =	shalt  }
0x69: {  	_ =	shalt  }
0x6a: {  	_ =	shalt  }
0x6b: {  	_ =	shalt  }
0x6c: {  	_ =	shalt  }
0x6d: {  	_ =	shalt  }
0x6e: {  	_ =	shalt  }
0x6f: {  	_ =	shalt  }
0x70: {  	_ =	shalt  }
0x71: {  	_ =	shalt  }
0x72: {  	_ =	shalt  }
0x73: {  	_ =	shalt  }
0x74: {  	_ =	shalt  }
0x75: {  	_ =	shalt  }
0x76: {  	_ =	shalt  }
0x77: {  	_ =	shalt  }
0x78: {  	_ =	shalt  }
0x79: {  	_ =	shalt  }
0x7a: {  	_ =	shalt  }
0x7b: {  	_ =	shalt  }
0x7c: {  	_ =	shalt  }
0x7d: {  	_ =	shalt  }
0x7e: {  	_ =	shalt  }
0x7f: {  	_ =	shalt  }
0x80: {  	_ =	shalt  }
0x81: {  	_ =	shalt  }
0x82: {  	_ =	shalt  }
0x83: {  	_ =	shalt  }
0x84: {  	_ =	shalt  }
0x85: {  	_ =	shalt  }
0x86: {  	_ =	shalt  }
0x87: {  	_ =	shalt  }
.Lfunc_end0:
.L_simem_size_0:
called_computation.2_lowered:
.L_overlay_start_0:
0x88: {  	s2 =	sld [smem:$0x3FD9]  }
0x89: {  	s3 =	sld [smem:$0x3FFE];
	_ =	sdelay $0x1  }
0x8a: {  	s1 =	srdreg.scid  }
0x8b: {  	s0 =	sand.u32 $0x1, s1  }
0x8c: {  	s16 =	sshll.u32 s0, $0xA;
	s2 =	sadd.s32 s3, s2  }
0x8d: {  	s2 =	sadd.s32 s2, s16  }
0x8e: {  	[smem:$0x3FBB] =	sst s2  }
0x8f: {  	_ = 	snop  }
0x90: {  	(tm) =	ssettm $0x1  }
0x91: {  	s17 =	sld [smem:$0x3FFB];
	_ =	sdelay $0x3  }
0x92: {  	_ =	strace s17  }
0x93: {  	s2 =	sld [smem:$0x3FFC];
	_ =	sdelay $0x3  }
0x94: {  	_ =	strace s2  }
0x95: {  	s2 =	sld [smem:$0x3FFD];
	_ =	sdelay $0x3  }
0x96: {  	_ =	strace s2  }
0x97: {  	_ =	strace $0x8FFFFFFF  }
0x98: {  	s18 =	sld [smem:$0x3FDB];
	_ =	sdelay $0x1  }
0x99: {  	s19 =	simm.s32 $_scs_section_size  }
0x9a: {  	s4 =	simm.s32 $_size__tile_overlayer_lowered;
	s5 =	simm.s32 $_tile_overlayer_lowered  }
0x9b: {  	s22 =	simm.s32 $0x1BFF;
	s21 =	sshll.u32 s5, $0x1;
	s2 =	sadd.s32 s19, s18  }
0x9c: {  	s6 =	simm.s32 $0x0;
	s20 =	sshll.u32 s4, $0x1;
	s4 =	sadd.s32 s21, s2  }
0x9d: {  	[timem:s6], [sflag:s22] =	dma.local [hbm:s4], s20  }
0x9e: {  	_ =	swait.ge [sflag:s22], s20  }
0x9f: {  	s3 =	ssub.s32 $0x0, s20;
	[sflag:s22] =	ssyncset.done $0x0  }
0xa0: {  	[sflag:s22] =	ssyncadd.s32 s3;
	_ =	sdelay $0x1  }
0xa1: {  	s23 =	simm.s32 $0x1B8B  }
0xa2: {  	_ =	swait.ge [sflag:s23], $0x1  }
0xa3: {  	[sflag:s23] =	ssyncset.done $0x0  }
0xa4: {  	s25 =	simm.s32 $0x1B8E;
	s24 =	sld [smem:$0x3FFE];
	[sflag:s23] =	ssyncadd.s32 $0xFFFFFFFF  }
0xa5: {  	s26 =	simm.s32 $execute0_lowered;
	[smem:$0x3FD2] =	sst s25  }
0xa6: {  	s4 =	sshll.u32 s26, $0x1;
	_ =	strace $0x8000004C;
	[dreg:$0x1] =	wrdreg $0xFFFFFFFF  }
0xa7: {  	s28 =	simm.s32 $_size_execute0_lowered;
	s2 =	sadd.s32 s2, s4;
	[dreg:$0x0] =	wrdreg $0x0  }
0xa8: {  	s4 =	sshll.u32 s28, $0x1;
	[dreg:$0x2] =	wrdreg s2  }
0xa9: {  	[dreg:$0x3] =	wrdreg s4  }
0xaa: {  	[dreg:$0x4] =	wrdreg $0xC0  }
0xab: {  	_ =	task [dreg:s6], $0x5FFFF  }
0xac: {  	[dreg:$0x1] =	wrdreg $0xFFFFFFFF  }
0xad: {  	[dreg:$0x0] =	wrdreg $0x60  }
0xae: {  	[dreg:$0x2] =	wrdreg s24  }
0xaf: {  	[dreg:$0x3] =	wrdreg $0x0  }
0xb0: {  	[dreg:$0x4] =	wrdreg $0x9  }
0xb1: {  	_ =	task.clear_ibuf [dreg:s6], $0x5FFFF;
	_ =	strace $0x9000004C  }
0xb2: {  	s29 =	simm.s32 $0x9;
	_ =	strace $0x8000004E  }
0xb3: {  	_ =	swait.ge [sflag:s29], $0x1  }
0xb4: {  	[sflag:s29] =	ssyncadd.s32 $0xFFFFFFFF  }
0xb5: {  	_ =	strace $0x9000004E  }
0xb6: {  	_ =	sfence  }
0xb7: {  	s30 =	sld [smem:$0x0];
	_ =	sdelay $0x2  }
0xb8: {  	s31 =	sshll.u32 s1, $0xD;
	s1 =	sshrl.u32 s1, $0x2  }
0xb9: {  	s3 =	sand.u32 $0x4000, s31;
	s1 =	sadd.s32 s1, s30  }
0xba: {  	s0 =	sor.u32 s3, s0;
	s1 =	sshll.u32 s1, $0x11  }
0xbb: {  	s0 =	sor.u32 s1, s0  }
0xbc: {  	s0 =	sadd.s32 $0x8F2B, s0  }
0xbd: {  	[sflag:s0] =	ssyncadd.remote.s32 $0x1  }
0xbe: {  	_ =	sfence.sel $0xFFFF  }
0xbf: {  	[dreg:$0x0] =	wrdreg $0xFFFFFFFF;
	(pc) =	sbr.abs _section_cstart, $3  }
0xc0: {  	[dreg:$0x1] =	wrdreg $0xFFFFFFFF  }
0xc1: {  	_ =	task.clear_ibuf [dreg:s6], $0x2FFFF;
	_ =	strace $0x9FFFFFFF  }
0xc2: {  	(tm) =	ssettm $0x7FFFFFFF  }
0xc3: {  	_ =	shalt  }
tec
execute0_lowered:
.L_overlay_start_1:
0x0: {  	(tag) =	ssettag $0x1  }
0x1: {  	s5 =	rddreg [dreg:$0x0]  }
0x2: {  	s2 =	rddreg [dreg:$0x1]  }
0x3: {  	s0 =	rddreg [dreg:$0x2]  }
0x4: {  	s4 =	srdreg.scid;
	s1 =	stileid.u32;
	s3 =	simm.s32 $0x0  }
0x5: {  	s13 =	simm.s32 $0x7800;
	s14 =	simm.s32 $0x80;
	s15 =	simm.s32 $0xA000  }
0x6: {  	s16 =	simm.s32 $0x1;
	s17 =	simm.s32 $0x5080;
	s18 =	simm.s32 $0xB000  }
0x7: {  	s19 =	simm.s32 $0x2;
	s20 =	simm.s32 $0x7880;
	s21 =	simm.s32 $0x3  }
0x8: {  	s22 =	simm.s32 $0x5100;
	s23 =	simm.s32 $0x4;
	s6 =	sand.u32 $0x1, s4  }
0x9: {  	s28 =	sshll.u32 s1, $0x1;
	[smem:$0x7FF] =	sst s3;
	s8 =	smul.u32 $0xA000, s1  }
0xa: {  	s4 =	sadd.s32 $0x20E00, s5;
	s31 =	sshll.u32 s1, $0x6;
	s7 =	sor.u32 s6, s28  }
0xb: {  	_ =	strace $0x8000004D;
	s9 =	smul.u32 $0xA000, s6;
	s6 =	ssub.s32 $0x2, s6  }
0xc: {  	s7 =	smul.u32 $0x500, s7;
	s24 =	sshrl.u32 s8, $0x4;
	s11 =	sshrl.u32 s6, $0x1  }
0xd: {  	s30 =	sshrl.u32 s8, $0x1;
	s29 =	sadd.s32 s24, s5;
	s9 =	sadd.s32 s9, s5  }
.Ltmp0:
0xe: {  	s11 =	ssub.s32 s6, s11;
	s12 =	sadd.s32 s30, s2;
	(pc) =	sbr.rel .LBB2_1-.Ltmp0, $4  }
0xf: {  	s6 =	sor.u32 $0x1C05, s31;
	s10 =	sadd.s32 s7, s5;
	s5 =	sadd.s32 $0x16E00, s29  }
0x10: {  	s25 =	sadd.s32 $0x2AE00, s9;
	s9 =	smax.u32 s11, $0x1;
	s11 =	simm.s32 $0x5  }
0x11: {  	s7 =	sadd.s32 $0xCE00, s10;
	s8 =	sadd.s32 $0x1E00, s10;
	s10 =	sshrl.u32 s12, $0x3  }
0x12: {  	s12 =	simm.s32 $0x5000;
	s24 =	sadd.s32 s24, s25;
	s25 =	simm.s32 $0x0  }
.LBB2_4:
0x13: {  	_ =	swait.ge [sflag:s23], $0x1000  }
0x14: {  	s25 =	sadd.s32 $0x1, s25;
	[sflag:s23] =	ssyncset.done $0x0  }
0x15: {  	p0 =	sne.s32 s25, s9;
	[sflag:s23] =	ssyncadd.s32 $0xFFFFF000  }
.Ltmp1:
0x16: {  	[bflag:$0x0] =	sbarrier.arrive $0xFFFF;
	(pc) =	sbr.rel @!p0 .LBB2_5-.Ltmp1, $4  }
0x17: {  	[hbm:s24], [sflag:s6] =	dma.local [spmem:s10], $0xA00  }
0x18: {  	_ =	swait.ge [sflag:s11], $0xA00  }
0x19: {  	[sflag:s11] =	ssyncset.done $0x0  }
0x1a: {  	[sflag:s11] =	ssyncadd.s32 $0xFFFFF600  }
.LBB2_1:
0x1b: {  	[spmem:s10], [sflag:s6] =	dma.local [hbm:s5], $0xA00  }
0x1c: {  	_ =	swait.ge [sflag:s11], $0xA00  }
0x1d: {  	[sflag:s11] =	ssyncset.done $0x0  }
0x1e: {  	[sflag:s11] =	ssyncadd.s32 $0xFFFFF600  }
0x1f: {  	[tilespmem:s12], [sflag:$0x5] =	stream.linear.gather [hbm4b:s7+s3], $0x2800, $0x38;
	[tilespmem:$0xC000] =	vst v63  }
0x20: {  	_ =	swait.ge [sflag:s11], $0x2800  }
0x21: {  	[sflag:s11] =	ssyncset.done $0x0  }
0x22: {  	[sflag:s11] =	ssyncadd.s32 $0xFFFFD800  }
0x23: {  	[tilespmem:s13], [sflag:$0x5] =	stream.linear.gather [hbm4b:s8+s3], $0x2800, $0x38;
	[tilespmem:$0xC000] =	vst v63  }
0x24: {  	_ =	swait.ge [sflag:s11], $0x2800  }
0x25: {  	[sflag:s11] =	ssyncset.done $0x0  }
0x26: {  	[sflag:s11] =	ssyncadd.s32 $0xFFFFD800  }
0x27: {  	[bflag:$0x0] =	sbarrier.arrive $0xFFFF  }
0x28: {  	[tilespmem:s15], [sflag:$0x1] =	stream.indirect.gather [hbm4b:s4+s14], $0x20, s12, s14, $0xb8;
	[tilespmem:$0xC000] =	vst v63  }
0x29: {  	_ =	swait.ge [sflag:s16], $0x1000  }
0x2a: {  	[sflag:s16] =	ssyncset.done $0x0  }
0x2b: {  	[sflag:s16] =	ssyncadd.s32 $0xFFFFF000  }
0x2c: {  	[spmem:s2] =	stream.indirect.scatter.add.bf16 [tilespmem:s15], [sflag:$0x3], $0x20, s13, s14, $0xb8;
	[tilespmem:$0xC000] =	vst v63  }
0x2d: {  	_ = 	snop  }
0x2e: {  	[tilespmem:s18], [sflag:$0x2] =	stream.indirect.gather [hbm4b:s4+s14], $0x20, s17, s14, $0xb8;
	[tilespmem:$0xC000] =	vst v63  }
0x2f: {  	_ =	swait.ge [sflag:s19], $0x1000  }
0x30: {  	[sflag:s19] =	ssyncset.done $0x0  }
0x31: {  	[sflag:s19] =	ssyncadd.s32 $0xFFFFF000  }
0x32: {  	[spmem:s2] =	stream.indirect.scatter.add.bf16 [tilespmem:s18], [sflag:$0x4], $0x20, s20, s14, $0xb8;
	[tilespmem:$0xC000] =	vst v63  }
0x33: {  	_ =	swait.ge [sflag:s21], $0x1000  }
0x34: {  	[sflag:s21] =	ssyncset.done $0x0  }
0x35: {  	s26 =	simm.s32 $0xFFFF6800;
	[sflag:s21] =	ssyncadd.s32 $0xFFFFF000  }
0x36: {  	[tilespmem:s15], [sflag:$0x1] =	stream.indirect.gather [hbm4b:s4+s14], $0x20, s22, s14, $0xb8;
	[tilespmem:$0xC000] =	vst v63  }
.LBB2_2:
0x37: {  	_ =	swait.ge [sflag:s16], $0x1000  }
0x38: {  	s28 =	sshra.s32 s26, $0x2;
	[sflag:s16] =	ssyncset.done $0x0  }
0x39: {  	s29 =	sadd.s32 $0x9F00, s28;
	[sflag:s16] =	ssyncadd.s32 $0xFFFFF000  }
0x3a: {  	[spmem:s2] =	stream.indirect.scatter.add.bf16 [tilespmem:s15], [sflag:$0x3], $0x20, s29, s14, $0xb8;
	[tilespmem:$0xC000] =	vst v63  }
0x3b: {  	_ =	swait.ge [sflag:s23], $0x1000  }
0x3c: {  	[sflag:s23] =	ssyncset.done $0x0  }
0x3d: {  	s30 =	sadd.s32 $0x7780, s28;
	[sflag:s23] =	ssyncadd.s32 $0xFFFFF000  }
0x3e: {  	[tilespmem:s18], [sflag:$0x2] =	stream.indirect.gather [hbm4b:s4+s14], $0x20, s30, s14, $0xb8;
	[tilespmem:$0xC000] =	vst v63  }
0x3f: {  	_ =	swait.ge [sflag:s19], $0x1000  }
0x40: {  	p0 =	seq.s32 s26, $0x0;
	[sflag:s19] =	ssyncset.done $0x0  }
.Ltmp2:
0x41: {  	s31 =	sadd.s32 $0x9F80, s28;
	[sflag:s19] =	ssyncadd.s32 $0xFFFFF000;
	(pc) =	sbr.rel @p0 .LBB2_4-.Ltmp2, $4  }
0x42: {  	[spmem:s2] =	stream.indirect.scatter.add.bf16 [tilespmem:s18], [sflag:$0x4], $0x20, s31, s14, $0xb8;
	[tilespmem:$0xC000] =	vst v63  }
0x43: {  	_ =	swait.ge [sflag:s21], $0x1000  }
0x44: {  	[sflag:s21] =	ssyncset.done $0x0  }
0x45: {  	[sflag:s21] =	ssyncadd.s32 $0xFFFFF000  }
.Ltmp3:
0x46: {  	(pc) =	sbr.rel .LBB2_2-.Ltmp3, $3  }
0x47: {  	_ =	sdelay $0x1  }
0x48: {  	s28 =	sadd.s32 $0x7800, s28;
	s26 =	sadd.s32 $0x400, s26  }
0x49: {  	[tilespmem:s15], [sflag:$0x1] =	stream.indirect.gather [hbm4b:s4+s14], $0x20, s28, s14, $0xb8;
	[tilespmem:$0xC000] =	vst v63  }
.LBB2_5:
0x4a: {  	_ =	sfence.sel $0x180000  }
0x4b: {  	[bflag:$0x0] =	sbarrier.arrive $0xFFFF  }
0x4c: {  	p0 =	sne.s32 s1, $0x0;
	_ =	strace $0x9000004D  }
0x4d: {  	s0 =	sadd.s32 @!p0 $0x100000, s0;
	[bflag:$0x2] =	sbarrier.arrive $0xFFFF  }
0x4e: {  	[sflag:s0] =	ssyncadd.tile.s32 @!p0 $0x1;
	_ =	shalt  }
.Lfunc_end2:
_tile_overlayer_lowered:
.L_overlay_start_2:
0x4f: {  	(tag) =	ssettag $0x2  }
0x50: {  	s0 =	rddreg [dreg:$0x0];
	s2 =	stileid.u32  }
0x51: {  	s1 =	rddreg [dreg:$0x1];
	p0 =	sne.s32 s2, $0x0  }
0x52: {  	s3 =	rddreg [dreg:$0x2];
	[bflag:$0x3] =	sbarrier.arrive $0xFFFF;
	s2 =	simm.s32 @!p0 $0x1C05  }
0x53: {  	[timem:s3], [sflag:s2] =	dma.local @!p0 [hbm:s0], s1  }
0x54: {  	s0 =	simm.s32 @!p0 $0x5  }
0x55: {  	_ =	swait.ge @!p0 [sflag:s0], s1  }
0x56: {  	s1 =	ssub.s32 @!p0 $0x0, s1;
	[sflag:s0] =	ssyncset.done @!p0 $0x0  }
0x57: {  	[sflag:s0] =	ssyncadd.s32 @!p0 s1  }
0x58: {  	[bflag:$0x3] =	sbarrier.arrive $0xFFFF  }
0x59: {  	_ =	shalt  }

// kernel: kernel.19.cloned.1.call-start
scs
__scs_entry_jumppad:
0x0: {  	(pc) =	sbr.rel $0x88, $3  }
0x1: {  	(tag) =	ssettag $0x0;
	lr =	simm.s32 $0x1  }
0x2: {  	[smem:$0x3F94] =	sst lr;
	_ =	strace $0xD0000000  }
0x3: {  	_ = 	snop  }
0x4: {  	_ = 	snop  }
0x5: {  	_ = 	snop  }
0x6: {  	_ = 	snop  }
0x7: {  	_ = 	snop  }
__scs_overlays_trampoline_lowered:
0x8: {  	[smem:$0x3FA3] =	sst s0  }
0x9: {  	[smem:$0x3FA4] =	sst s1  }
0xa: {  	[smem:$0x3FA5] =	sst s2  }
0xb: {  	[smem:$0x3FA6] =	sst s3  }
0xc: {  	[smem:$0x3FA7] =	sst s4  }
0xd: {  	[smem:$0x3FA8] =	sst s5  }
0xe: {  	[smem:$0x3FA9] =	sst s6  }
0xf: {  	[smem:$0x3FAA] =	sst s7  }
0x10: {  	[smem:$0x3FAB] =	sst s8  }
0x11: {  	[smem:$0x3FAC] =	sst s9;
	s0 =	simm.s32 @!p0 $0x0  }
0x12: {  	s1 =	sld [smem:$0x3F92];
	s0 =	simm.s32 @p0 $0x1  }
0x13: {  	[smem:$0x3FAD] =	sst s0;
	s0 =	simm.s32 @!p1 $0x0  }
0x14: {  	s2 =	sld [smem:$0x3F91];
	s0 =	simm.s32 @p1 $0x1  }
0x15: {  	[smem:$0x3FAE] =	sst s0;
	s0 =	simm.s32 @!p2 $0x0  }
0x16: {  	s3 =	sld [smem:$0x3FDB];
	s0 =	simm.s32 @p2 $0x1  }
0x17: {  	s4 =	simm.s32 $0x1BF5;
	[smem:$0x3FB0] =	sst s0  }
0x18: {  	s0 =	sld [smem:$0x3F93];
	_ =	swait.ge [sflag:s4], $0x0  }
0x19: {  	s7 =	sld [smem:$0x3F94]  }
0x1a: {  	s8 =	sadd.s32 $0xFFFFE003, lr  }
0x1b: {  	s9 =	sadd.s32 $0xFFFFFEF7, lr;
	s5 =	simm.s32 $0xFFFFFFFF;
	p2 =	slt.u32 s8, $0xFFFFF086  }
0x1c: {  	p1 =	slt.u32 s9, $0xF7A;
	s5 =	simm.s32 @!p2 $0x0  }
0x1d: {  	s5 =	simm.s32 @p1 $0x1;
	p0 =	seq.s32 s7, s2  }
0x1e: {  	s7 =	smul.u32 @!p0 $0xF7A, s2;
	p2 =	seq.s32 @!p0 s5, $0x0  }
0x1f: {  	s9 =	smul.u32 $0xF7A, s1;
	s8 =	simm.s32 @!p0 $0x1BF5;
	p2 =	por !p2, p0  }
0x20: {  	[sflag:s8] =	ssyncset.s32 @!p0 $0xFFFFF086;
	s6 =	sadd.s32 @!p0 s3, s7;
	s7 =	simm.s32 @!p0 $0x108  }
0x21: {  	s3 =	sadd.s32 s3, s9;
	s6 =	sadd.s32 @!p0 $0x88, s6;
	s7 =	simm.s32 @p2 $0x1082  }
0x22: {  	[simem:s7], [sflag:s8] =	dma.local @!p0 [hbm:s6], $0xF7A  }
0x23: {  	s9 =	sor.u32 $0xD0000000, s2;
	s6 =	simm.s32 $0x108;
	_ =	swait.ge @!p0 [sflag:s8], $0x0  }
0x24: {  	s3 =	sadd.s32 $0x88, s3;
	s6 =	simm.s32 @!p1 $0x1082;
	[sflag:s4] =	ssyncset.s32 $0xFFFFF086  }
0x25: {  	[simem:s6], [sflag:s4] =	dma.local [hbm:s3], $0xF7A  }
0x26: {  	[smem:$0x3F94] =	sst s1;
	(tag) =	ssettag s2;
	_ =	strace s9  }
0x27: {  	s1 =	sld [smem:$0x3FA4]  }
0x28: {  	s2 =	sld [smem:$0x3FA5]  }
0x29: {  	s4 =	sld [smem:$0x3FA7]  }
0x2a: {  	p0 =	seq.s32 s5, $0x0;
	s5 =	sld [smem:$0x3FA8]  }
0x2b: {  	s6 =	sld [smem:$0x3FA9]  }
0x2c: {  	s7 =	sld [smem:$0x3FAA]  }
0x2d: {  	s3 =	simm.s32 $0x108;
	s8 =	sld [smem:$0x3FAB]  }
0x2e: {  	s3 =	simm.s32 @!p0 $0x1082;
	s9 =	sld [smem:$0x3FAC]  }
0x2f: {  	lr =	sadd.s32 s0, s3;
	s0 =	sld [smem:$0x3FA3]  }
0x30: {  	s3 =	sld [smem:$0x3FA6]  }
0x31: {  	[smem:$0x3FAF] =	sst s10  }
0x32: {  	s10 =	sld [smem:$0x3FAD];
	_ =	sdelay $0x3  }
0x33: {  	p0 =	seq.s32 s10, $0x1;
	s10 =	sld [smem:$0x3FAF];
	_ =	sdelay $0x3  }
0x34: {  	[smem:$0x3FAF] =	sst s10  }
0x35: {  	s10 =	sld [smem:$0x3FAE];
	_ =	sdelay $0x3  }
0x36: {  	p1 =	seq.s32 s10, $0x1;
	s10 =	sld [smem:$0x3FAF];
	_ =	sdelay $0x3  }
0x37: {  	[smem:$0x3FAF] =	sst s10  }
0x38: {  	s10 =	sld [smem:$0x3FB0]  }
0x39: {  	_ = 	snop;
	(pc) =	sbr.ind lr, $3  }
0x3a: {  	_ = 	snop  }
0x3b: {  	_ = 	snop  }
0x3c: {  	p2 =	seq.s32 s10, $0x1;
	s10 =	sld [smem:$0x3FAF]  }
0x3d: {  	_ =	shalt  }
0x3e: {  	_ =	shalt  }
0x3f: {  	_ =	shalt  }
0x40: {  	_ =	shalt  }
0x41: {  	_ =	shalt  }
0x42: {  	_ =	shalt  }
0x43: {  	_ =	shalt  }
0x44: {  	_ =	shalt  }
0x45: {  	_ =	shalt  }
0x46: {  	_ =	shalt  }
0x47: {  	_ =	shalt  }
0x48: {  	_ =	shalt  }
0x49: {  	_ =	shalt  }
0x4a: {  	_ =	shalt  }
0x4b: {  	_ =	shalt  }
0x4c: {  	_ =	shalt  }
0x4d: {  	_ =	shalt  }
0x4e: {  	_ =	shalt  }
0x4f: {  	_ =	shalt  }
0x50: {  	_ =	shalt  }
0x51: {  	_ =	shalt  }
0x52: {  	_ =	shalt  }
0x53: {  	_ =	shalt  }
0x54: {  	_ =	shalt  }
0x55: {  	_ =	shalt  }
0x56: {  	_ =	shalt  }
0x57: {  	_ =	shalt  }
0x58: {  	_ =	shalt  }
0x59: {  	_ =	shalt  }
0x5a: {  	_ =	shalt  }
0x5b: {  	_ =	shalt  }
0x5c: {  	_ =	shalt  }
0x5d: {  	_ =	shalt  }
0x5e: {  	_ =	shalt  }
0x5f: {  	_ =	shalt  }
0x60: {  	_ =	shalt  }
0x61: {  	_ =	shalt  }
0x62: {  	_ =	shalt  }
0x63: {  	_ =	shalt  }
0x64: {  	_ =	shalt  }
0x65: {  	_ =	shalt  }
0x66: {  	_ =	shalt  }
0x67: {  	_ =	shalt  }
0x68: {  	_ =	shalt  }
0x69: {  	_ =	shalt  }
0x6a: {  	_ =	shalt  }
0x6b: {  	_ =	shalt  }
0x6c: {  	_ =	shalt  }
0x6d: {  	_ =	shalt  }
0x6e: {  	_ =	shalt  }
0x6f: {  	_ =	shalt  }
0x70: {  	_ =	shalt  }
0x71: {  	_ =	shalt  }
0x72: {  	_ =	shalt  }
0x73: {  	_ =	shalt  }
0x74: {  	_ =	shalt  }
0x75: {  	_ =	shalt  }
0x76: {  	_ =	shalt  }
0x77: {  	_ =	shalt  }
0x78: {  	_ =	shalt  }
0x79: {  	_ =	shalt  }
0x7a: {  	_ =	shalt  }
0x7b: {  	_ =	shalt  }
0x7c: {  	_ =	shalt  }
0x7d: {  	_ =	shalt  }
0x7e: {  	_ =	shalt  }
0x7f: {  	_ =	shalt  }
0x80: {  	_ =	shalt  }
0x81: {  	_ =	shalt  }
0x82: {  	_ =	shalt  }
0x83: {  	_ =	shalt  }
0x84: {  	_ =	shalt  }
0x85: {  	_ =	shalt  }
0x86: {  	_ =	shalt  }
0x87: {  	_ =	shalt  }
.Lfunc_end0:
.L_simem_size_0:
called_computation.3_lowered:
.L_overlay_start_0:
0x88: {  	s2 =	sld [smem:$0x3FD9]  }
0x89: {  	s3 =	sld [smem:$0x3FFE];
	_ =	sdelay $0x1  }
0x8a: {  	s1 =	srdreg.scid  }
0x8b: {  	s0 =	sand.u32 $0x1, s1  }
0x8c: {  	s16 =	sshll.u32 s0, $0xA;
	s2 =	sadd.s32 s3, s2  }
0x8d: {  	s2 =	sadd.s32 s2, s16  }
0x8e: {  	[smem:$0x3FBB] =	sst s2  }
0x8f: {  	_ = 	snop  }
0x90: {  	(tm) =	ssettm $0x1  }
0x91: {  	s17 =	sld [smem:$0x3FFB];
	_ =	sdelay $0x3  }
0x92: {  	_ =	strace s17  }
0x93: {  	s2 =	sld [smem:$0x3FFC];
	_ =	sdelay $0x3  }
0x94: {  	_ =	strace s2  }
0x95: {  	s2 =	sld [smem:$0x3FFD];
	_ =	sdelay $0x3  }
0x96: {  	_ =	strace s2  }
0x97: {  	_ =	strace $0x8FFFFFFF  }
0x98: {  	s18 =	sld [smem:$0x3FDB];
	_ =	sdelay $0x1  }
0x99: {  	s19 =	simm.s32 $_scs_section_size  }
0x9a: {  	s4 =	simm.s32 $_size__tile_overlayer_lowered;
	s5 =	simm.s32 $_tile_overlayer_lowered  }
0x9b: {  	s22 =	simm.s32 $0x1BFF;
	s21 =	sshll.u32 s5, $0x1;
	s2 =	sadd.s32 s19, s18  }
0x9c: {  	s6 =	simm.s32 $0x0;
	s20 =	sshll.u32 s4, $0x1;
	s4 =	sadd.s32 s21, s2  }
0x9d: {  	[timem:s6], [sflag:s22] =	dma.local [hbm:s4], s20  }
0x9e: {  	_ =	swait.ge [sflag:s22], s20  }
0x9f: {  	s3 =	ssub.s32 $0x0, s20;
	[sflag:s22] =	ssyncset.done $0x0  }
0xa0: {  	[sflag:s22] =	ssyncadd.s32 s3;
	_ =	sdelay $0x1  }
0xa1: {  	s23 =	simm.s32 $0x1B8B  }
0xa2: {  	_ =	swait.ge [sflag:s23], $0x1  }
0xa3: {  	[sflag:s23] =	ssyncset.done $0x0  }
0xa4: {  	s25 =	simm.s32 $0x1B8E;
	s24 =	sld [smem:$0x3FFE];
	[sflag:s23] =	ssyncadd.s32 $0xFFFFFFFF  }
0xa5: {  	s26 =	simm.s32 $execute0_lowered;
	[smem:$0x3FD2] =	sst s25  }
0xa6: {  	s4 =	sshll.u32 s26, $0x1;
	_ =	strace $0x8000004F;
	[dreg:$0x1] =	wrdreg $0xFFFFFFFF  }
0xa7: {  	s28 =	simm.s32 $_size_execute0_lowered;
	s2 =	sadd.s32 s2, s4;
	[dreg:$0x0] =	wrdreg $0x0  }
0xa8: {  	s4 =	sshll.u32 s28, $0x1;
	[dreg:$0x2] =	wrdreg s2  }
0xa9: {  	[dreg:$0x3] =	wrdreg s4  }
0xaa: {  	[dreg:$0x4] =	wrdreg $0xC0  }
0xab: {  	_ =	task [dreg:s6], $0x5FFFF  }
0xac: {  	[dreg:$0x1] =	wrdreg $0xFFFFFFFF  }
0xad: {  	[dreg:$0x0] =	wrdreg $0x60  }
0xae: {  	[dreg:$0x2] =	wrdreg s24  }
0xaf: {  	[dreg:$0x3] =	wrdreg $0x0  }
0xb0: {  	[dreg:$0x4] =	wrdreg $0x9  }
0xb1: {  	_ =	task.clear_ibuf [dreg:s6], $0x5FFFF;
	_ =	strace $0x9000004F  }
0xb2: {  	s29 =	simm.s32 $0x9;
	_ =	strace $0x80000051  }
0xb3: {  	_ =	swait.ge [sflag:s29], $0x1  }
0xb4: {  	[sflag:s29] =	ssyncadd.s32 $0xFFFFFFFF  }
0xb5: {  	_ =	strace $0x90000051  }
0xb6: {  	_ =	sfence  }
0xb7: {  	s30 =	sld [smem:$0x0];
	_ =	sdelay $0x2  }
0xb8: {  	s31 =	sshll.u32 s1, $0xD;
	s1 =	sshrl.u32 s1, $0x2  }
0xb9: {  	s3 =	sand.u32 $0x4000, s31;
	s1 =	sadd.s32 s1, s30  }
0xba: {  	s0 =	sor.u32 s3, s0;
	s1 =	sshll.u32 s1, $0x11  }
0xbb: {  	s0 =	sor.u32 s1, s0  }
0xbc: {  	s0 =	sadd.s32 $0x8F2B, s0  }
0xbd: {  	[sflag:s0] =	ssyncadd.remote.s32 $0x1  }
0xbe: {  	_ =	sfence.sel $0xFFFF  }
0xbf: {  	[dreg:$0x0] =	wrdreg $0xFFFFFFFF;
	(pc) =	sbr.abs _section_cstart, $3  }
0xc0: {  	[dreg:$0x1] =	wrdreg $0xFFFFFFFF  }
0xc1: {  	_ =	task.clear_ibuf [dreg:s6], $0x2FFFF;
	_ =	strace $0x9FFFFFFF  }
0xc2: {  	(tm) =	ssettm $0x7FFFFFFF  }
0xc3: {  	_ =	shalt  }
tec
execute0_lowered:
.L_overlay_start_1:
0x0: {  	(tag) =	ssettag $0x1  }
0x1: {  	s5 =	rddreg [dreg:$0x0]  }
0x2: {  	s2 =	rddreg [dreg:$0x1]  }
0x3: {  	s0 =	rddreg [dreg:$0x2]  }
0x4: {  	s4 =	srdreg.scid;
	s1 =	stileid.u32;
	s3 =	simm.s32 $0x0  }
0x5: {  	s13 =	simm.s32 $0x7800;
	s14 =	simm.s32 $0x80;
	s15 =	simm.s32 $0xA000  }
0x6: {  	s16 =	simm.s32 $0x1;
	s17 =	simm.s32 $0x5080;
	s18 =	simm.s32 $0xB000  }
0x7: {  	s19 =	simm.s32 $0x2;
	s20 =	simm.s32 $0x7880;
	s21 =	simm.s32 $0x3  }
0x8: {  	s22 =	simm.s32 $0x5100;
	s23 =	simm.s32 $0x4;
	s6 =	sand.u32 $0x1, s4  }
0x9: {  	s28 =	sshll.u32 s1, $0x1;
	[smem:$0x7FF] =	sst s3;
	s8 =	smul.u32 $0xA000, s1  }
0xa: {  	s4 =	sadd.s32 $0x20E00, s5;
	s31 =	sshll.u32 s1, $0x6;
	s7 =	sor.u32 s6, s28  }
0xb: {  	_ =	strace $0x80000050;
	s9 =	smul.u32 $0xA000, s6;
	s6 =	ssub.s32 $0x2, s6  }
0xc: {  	s7 =	smul.u32 $0x500, s7;
	s24 =	sshrl.u32 s8, $0x4;
	s11 =	sshrl.u32 s6, $0x1  }
0xd: {  	s30 =	sshrl.u32 s8, $0x1;
	s29 =	sadd.s32 s24, s5;
	s9 =	sadd.s32 s9, s5  }
.Ltmp0:
0xe: {  	s11 =	ssub.s32 s6, s11;
	s12 =	sadd.s32 s30, s2;
	(pc) =	sbr.rel .LBB2_1-.Ltmp0, $4  }
0xf: {  	s6 =	sor.u32 $0x1C05, s31;
	s10 =	sadd.s32 s7, s5;
	s5 =	sadd.s32 $0x16E00, s29  }
0x10: {  	s25 =	sadd.s32 $0x2AE00, s9;
	s9 =	smax.u32 s11, $0x1;
	s11 =	simm.s32 $0x5  }
0x11: {  	s7 =	sadd.s32 $0xCE00, s10;
	s8 =	sadd.s32 $0x1E00, s10;
	s10 =	sshrl.u32 s12, $0x3  }
0x12: {  	s12 =	simm.s32 $0x5000;
	s24 =	sadd.s32 s24, s25;
	s25 =	simm.s32 $0x0  }
.LBB2_4:
0x13: {  	_ =	swait.ge [sflag:s23], $0x1000  }
0x14: {  	s25 =	sadd.s32 $0x1, s25;
	[sflag:s23] =	ssyncset.done $0x0  }
0x15: {  	p0 =	sne.s32 s25, s9;
	[sflag:s23] =	ssyncadd.s32 $0xFFFFF000  }
.Ltmp1:
0x16: {  	[bflag:$0x0] =	sbarrier.arrive $0xFFFF;
	(pc) =	sbr.rel @!p0 .LBB2_5-.Ltmp1, $4  }
0x17: {  	[hbm:s24], [sflag:s6] =	dma.local [spmem:s10], $0xA00  }
0x18: {  	_ =	swait.ge [sflag:s11], $0xA00  }
0x19: {  	[sflag:s11] =	ssyncset.done $0x0  }
0x1a: {  	[sflag:s11] =	ssyncadd.s32 $0xFFFFF600  }
.LBB2_1:
0x1b: {  	[spmem:s10], [sflag:s6] =	dma.local [hbm:s5], $0xA00  }
0x1c: {  	_ =	swait.ge [sflag:s11], $0xA00  }
0x1d: {  	[sflag:s11] =	ssyncset.done $0x0  }
0x1e: {  	[sflag:s11] =	ssyncadd.s32 $0xFFFFF600  }
0x1f: {  	[tilespmem:s12], [sflag:$0x5] =	stream.linear.gather [hbm4b:s7+s3], $0x2800, $0x38;
	[tilespmem:$0xC000] =	vst v63  }
0x20: {  	_ =	swait.ge [sflag:s11], $0x2800  }
0x21: {  	[sflag:s11] =	ssyncset.done $0x0  }
0x22: {  	[sflag:s11] =	ssyncadd.s32 $0xFFFFD800  }
0x23: {  	[tilespmem:s13], [sflag:$0x5] =	stream.linear.gather [hbm4b:s8+s3], $0x2800, $0x38;
	[tilespmem:$0xC000] =	vst v63  }
0x24: {  	_ =	swait.ge [sflag:s11], $0x2800  }
0x25: {  	[sflag:s11] =	ssyncset.done $0x0  }
0x26: {  	[sflag:s11] =	ssyncadd.s32 $0xFFFFD800  }
0x27: {  	[bflag:$0x0] =	sbarrier.arrive $0xFFFF  }
0x28: {  	[tilespmem:s15], [sflag:$0x1] =	stream.indirect.gather [hbm4b:s4+s14], $0x20, s12, s14, $0xb8;
	[tilespmem:$0xC000] =	vst v63  }
0x29: {  	_ =	swait.ge [sflag:s16], $0x1000  }
0x2a: {  	[sflag:s16] =	ssyncset.done $0x0  }
0x2b: {  	[sflag:s16] =	ssyncadd.s32 $0xFFFFF000  }
0x2c: {  	[spmem:s2] =	stream.indirect.scatter.add.bf16 [tilespmem:s15], [sflag:$0x3], $0x20, s13, s14, $0xb8;
	[tilespmem:$0xC000] =	vst v63  }
0x2d: {  	_ = 	snop  }
0x2e: {  	[tilespmem:s18], [sflag:$0x2] =	stream.indirect.gather [hbm4b:s4+s14], $0x20, s17, s14, $0xb8;
	[tilespmem:$0xC000] =	vst v63  }
0x2f: {  	_ =	swait.ge [sflag:s19], $0x1000  }
0x30: {  	[sflag:s19] =	ssyncset.done $0x0  }
0x31: {  	[sflag:s19] =	ssyncadd.s32 $0xFFFFF000  }
0x32: {  	[spmem:s2] =	stream.indirect.scatter.add.bf16 [tilespmem:s18], [sflag:$0x4], $0x20, s20, s14, $0xb8;
	[tilespmem:$0xC000] =	vst v63  }
0x33: {  	_ =	swait.ge [sflag:s21], $0x1000  }
0x34: {  	[sflag:s21] =	ssyncset.done $0x0  }
0x35: {  	s26 =	simm.s32 $0xFFFF6800;
	[sflag:s21] =	ssyncadd.s32 $0xFFFFF000  }
0x36: {  	[tilespmem:s15], [sflag:$0x1] =	stream.indirect.gather [hbm4b:s4+s14], $0x20, s22, s14, $0xb8;
	[tilespmem:$0xC000] =	vst v63  }
.LBB2_2:
0x37: {  	_ =	swait.ge [sflag:s16], $0x1000  }
0x38: {  	s28 =	sshra.s32 s26, $0x2;
	[sflag:s16] =	ssyncset.done $0x0  }
0x39: {  	s29 =	sadd.s32 $0x9F00, s28;
	[sflag:s16] =	ssyncadd.s32 $0xFFFFF000  }
0x3a: {  	[spmem:s2] =	stream.indirect.scatter.add.bf16 [tilespmem:s15], [sflag:$0x3], $0x20, s29, s14, $0xb8;
	[tilespmem:$0xC000] =	vst v63  }
0x3b: {  	_ =	swait.ge [sflag:s23], $0x1000  }
0x3c: {  	[sflag:s23] =	ssyncset.done $0x0  }
0x3d: {  	s30 =	sadd.s32 $0x7780, s28;
	[sflag:s23] =	ssyncadd.s32 $0xFFFFF000  }
0x3e: {  	[tilespmem:s18], [sflag:$0x2] =	stream.indirect.gather [hbm4b:s4+s14], $0x20, s30, s14, $0xb8;
	[tilespmem:$0xC000] =	vst v63  }
0x3f: {  	_ =	swait.ge [sflag:s19], $0x1000  }
0x40: {  	p0 =	seq.s32 s26, $0x0;
	[sflag:s19] =	ssyncset.done $0x0  }
.Ltmp2:
0x41: {  	s31 =	sadd.s32 $0x9F80, s28;
	[sflag:s19] =	ssyncadd.s32 $0xFFFFF000;
	(pc) =	sbr.rel @p0 .LBB2_4-.Ltmp2, $4  }
0x42: {  	[spmem:s2] =	stream.indirect.scatter.add.bf16 [tilespmem:s18], [sflag:$0x4], $0x20, s31, s14, $0xb8;
	[tilespmem:$0xC000] =	vst v63  }
0x43: {  	_ =	swait.ge [sflag:s21], $0x1000  }
0x44: {  	[sflag:s21] =	ssyncset.done $0x0  }
0x45: {  	[sflag:s21] =	ssyncadd.s32 $0xFFFFF000  }
.Ltmp3:
0x46: {  	(pc) =	sbr.rel .LBB2_2-.Ltmp3, $3  }
0x47: {  	_ =	sdelay $0x1  }
0x48: {  	s28 =	sadd.s32 $0x7800, s28;
	s26 =	sadd.s32 $0x400, s26  }
0x49: {  	[tilespmem:s15], [sflag:$0x1] =	stream.indirect.gather [hbm4b:s4+s14], $0x20, s28, s14, $0xb8;
	[tilespmem:$0xC000] =	vst v63  }
.LBB2_5:
0x4a: {  	_ =	sfence.sel $0x180000  }
0x4b: {  	[bflag:$0x0] =	sbarrier.arrive $0xFFFF  }
0x4c: {  	p0 =	sne.s32 s1, $0x0;
	_ =	strace $0x90000050  }
0x4d: {  	s0 =	sadd.s32 @!p0 $0x100000, s0;
	[bflag:$0x2] =	sbarrier.arrive $0xFFFF  }
0x4e: {  	[sflag:s0] =	ssyncadd.tile.s32 @!p0 $0x1;
	_ =	shalt  }
.Lfunc_end2:
_tile_overlayer_lowered:
.L_overlay_start_2:
0x4f: {  	(tag) =	ssettag $0x2  }
0x50: {  	s0 =	rddreg [dreg:$0x0];
	s2 =	stileid.u32  }
0x51: {  	s1 =	rddreg [dreg:$0x1];
	p0 =	sne.s32 s2, $0x0  }
0x52: {  	s3 =	rddreg [dreg:$0x2];
	[bflag:$0x3] =	sbarrier.arrive $0xFFFF;
	s2 =	simm.s32 @!p0 $0x1C05  }
0x53: {  	[timem:s3], [sflag:s2] =	dma.local @!p0 [hbm:s0], s1  }
0x54: {  	s0 =	simm.s32 @!p0 $0x5  }
0x55: {  	_ =	swait.ge @!p0 [sflag:s0], s1  }
0x56: {  	s1 =	ssub.s32 @!p0 $0x0, s1;
	[sflag:s0] =	ssyncset.done @!p0 $0x0  }
0x57: {  	[sflag:s0] =	ssyncadd.s32 @!p0 s1  }
0x58: {  	[bflag:$0x3] =	sbarrier.arrive $0xFFFF  }
0x59: {  	_ =	shalt  }

</sc_bundles>
